<compile_context>
chip_gen: v7x
topology: tpu7x:2x2x1
jax: 0.10.2.dev20260603
libtpu: 0.0.44.dev20260713+nightly
codegen_flags: <defaults>
</compile_context>

<pallas_src>
import functools

import jax
import jax.numpy as jnp
from jax import lax
from jax.experimental import pallas as pl
from jax.experimental.pallas import tpu as pltpu
from jax.experimental.pallas import tpu_sc as plsc

N = 10000
D = 128
E = 320000
C = 64

NC = 2
NS = 16
NW = NC * NS
PT = E // NW
CH = 40
NCH = PT // CH
CH1 = 80
NCH1 = PT // CH1
CW = 8
RT0 = 624
RTW = 640
ZR = 32


def _seg_sum_sc(width, with_cnt, ch, nch, nbuf=2):
  odd2 = nbuf == 2 and nch % 2 == 1
  assert odd2 or nch % nbuf == 0
  assert ch % 8 == 0
  mesh = plsc.VectorSubcoreMesh(core_axis_name="c", subcore_axis_name="s")
  out_type = [jax.ShapeDtypeStruct((NC, N, width), jnp.float32)]
  scratch = [
      pltpu.VMEM((PT,), jnp.int32),
      pltpu.VMEM((PT,), jnp.int32),
  ]
  scratch += [pltpu.VMEM((ch, width), jnp.float32)] * nbuf
  scratch += [pltpu.VMEM_SHARED((N, width), jnp.float32)]
  scratch += [pltpu.SemaphoreType.DMA] * nbuf
  if with_cnt:
    out_type.append(jax.ShapeDtypeStruct((NC, N, CW), jnp.float32))
    scratch += [
        pltpu.VMEM((ch, CW), jnp.float32),
        pltpu.VMEM_SHARED((N, CW), jnp.float32),
    ]

  def body(table_hbm, ei_hbm, ones_hbm, zeros8_hbm, zerosw_hbm, *refs):
    if with_cnt:
      agg_out, cnt_out = refs[0], refs[1]
      refs = refs[2:]
    else:
      agg_out = refs[0]
      refs = refs[1:]
    src_v, dst_v = refs[0], refs[1]
    rows = list(refs[2:2 + nbuf])
    agg_sh = refs[2 + nbuf]
    sems = list(refs[3 + nbuf:3 + 2 * nbuf])
    if with_cnt:
      ones_v, cnt_sh = refs[3 + 2 * nbuf], refs[4 + 2 * nbuf]
    cid = lax.axis_index("c")
    sid = lax.axis_index("s")
    wid = cid * NS + sid

    pltpu.sync_copy(zerosw_hbm.at[pl.ds(sid * RT0, RTW)],
                    agg_sh.at[pl.ds(sid * RT0, RTW)])
    if with_cnt:
      pltpu.sync_copy(ones_hbm, ones_v)
      pltpu.sync_copy(zeros8_hbm.at[pl.ds(sid * RT0, RTW)],
                      cnt_sh.at[pl.ds(sid * RT0, RTW)])

    pltpu.sync_copy(ei_hbm.at[0, pl.ds(wid * PT, PT)], src_v)
    pltpu.sync_copy(ei_hbm.at[1, pl.ds(wid * PT, PT)], dst_v)

    plsc.subcore_barrier()

    def start_gather(rows, sem, j):
      pltpu.async_copy(table_hbm.at[src_v.at[pl.ds(j * ch, ch)]], rows, sem)

    def wait_gather(rows, sem, j):
      pltpu.make_async_copy(
          table_hbm.at[src_v.at[pl.ds(j * ch, ch)]], rows, sem).wait()

    def scatter(rows, j):
      pltpu.sync_copy(rows, agg_sh.at[dst_v.at[pl.ds(j * ch, ch)]], add=True)
      if with_cnt:
        pltpu.sync_copy(ones_v, cnt_sh.at[dst_v.at[pl.ds(j * ch, ch)]],
                        add=True)

    if odd2:
      start_gather(rows[0], sems[0], 0)

      @pl.loop(1, nch - 1, step=2)
      def _(j):
        start_gather(rows[1], sems[1], j)
        wait_gather(rows[0], sems[0], j - 1)
        scatter(rows[0], j - 1)
        start_gather(rows[0], sems[0], j + 1)
        wait_gather(rows[1], sems[1], j)
        scatter(rows[1], j)

      wait_gather(rows[0], sems[0], nch - 1)
      scatter(rows[0], nch - 1)
    else:
      for k in range(nbuf):
        start_gather(rows[k], sems[k], k)

      @pl.loop(0, nch - 2 * nbuf + 1, step=nbuf)
      def _(j):
        for k in range(nbuf):
          wait_gather(rows[k], sems[k], j + k)
          scatter(rows[k], j + k)
          start_gather(rows[k], sems[k], j + k + nbuf)

      for k in range(nbuf):
        wait_gather(rows[k], sems[k], nch - nbuf + k)
        scatter(rows[k], nch - nbuf + k)

    plsc.subcore_barrier()

    pltpu.sync_copy(agg_sh.at[pl.ds(sid * RT0, RTW)],
                    agg_out.at[cid, pl.ds(sid * RT0, RTW)])
    if with_cnt:
      pltpu.sync_copy(cnt_sh.at[pl.ds(sid * RT0, RTW)],
                      cnt_out.at[cid, pl.ds(sid * RT0, RTW)])

  return pl.kernel(
      body, out_type=out_type, mesh=mesh, scratch_types=scratch,
      compiler_params=pltpu.CompilerParams(use_tc_tiling_on_sc=False))


_seg_sum_128 = _seg_sum_sc(D, with_cnt=True, ch=CH, nch=NCH, nbuf=5)
_seg_sum_64 = _seg_sum_sc(C, with_cnt=False, ch=CH1, nch=NCH1, nbuf=5)

_TC_R = 2000


def _layer0_body(agg_ref, cnt_ref, x_ref, wl0_ref, bl0_ref, wr0_ref, wl1_ref,
                 h_ref, y1_ref):
  agg = agg_ref[0] + agg_ref[1]
  cnt = cnt_ref[0, :, 0:1] + cnt_ref[1, :, 0:1]
  mean = agg / jnp.maximum(cnt, 1.0)
  pre = (jnp.dot(mean, wl0_ref[...], preferred_element_type=jnp.float32)
         + bl0_ref[...]
         + jnp.dot(x_ref[...], wr0_ref[...], preferred_element_type=jnp.float32))
  h = jnp.maximum(pre, 0.0)
  h_ref[...] = h
  y1_ref[...] = jnp.dot(h, wl1_ref[...], preferred_element_type=jnp.float32)


def _layer1_body(agg_ref, cnt_ref, h_ref, wr1_ref, bl1_ref, out_ref):
  agg = agg_ref[0] + agg_ref[1]
  cnt = cnt_ref[0, :, 0:1] + cnt_ref[1, :, 0:1]
  pre = (agg / jnp.maximum(cnt, 1.0) + bl1_ref[...]
         + jnp.dot(h_ref[...], wr1_ref[...], preferred_element_type=jnp.float32))
  a = jnp.maximum(pre, 0.0)
  m = jnp.max(a, axis=-1, keepdims=True)
  lse = jnp.log(jnp.sum(jnp.exp(a - m), axis=-1, keepdims=True)) + m
  out_ref[...] = a - lse


_layer0 = pl.pallas_call(
    _layer0_body,
    grid=(N // _TC_R,),
    in_specs=[
        pl.BlockSpec((NC, _TC_R, D), lambda i: (0, i, 0)),
        pl.BlockSpec((NC, _TC_R, CW), lambda i: (0, i, 0)),
        pl.BlockSpec((_TC_R, D), lambda i: (i, 0)),
        pl.BlockSpec((D, D), lambda i: (0, 0)),
        pl.BlockSpec((1, D), lambda i: (0, 0)),
        pl.BlockSpec((D, D), lambda i: (0, 0)),
        pl.BlockSpec((D, C), lambda i: (0, 0)),
    ],
    out_specs=[
        pl.BlockSpec((_TC_R, D), lambda i: (i, 0)),
        pl.BlockSpec((_TC_R, C), lambda i: (i, 0)),
    ],
    out_shape=[
        jax.ShapeDtypeStruct((N, D), jnp.float32),
        jax.ShapeDtypeStruct((N, C), jnp.float32),
    ],
)

_layer1 = pl.pallas_call(
    _layer1_body,
    grid=(N // _TC_R,),
    in_specs=[
        pl.BlockSpec((NC, _TC_R, C), lambda i: (0, i, 0)),
        pl.BlockSpec((NC, _TC_R, CW), lambda i: (0, i, 0)),
        pl.BlockSpec((_TC_R, D), lambda i: (i, 0)),
        pl.BlockSpec((D, C), lambda i: (0, 0)),
        pl.BlockSpec((1, C), lambda i: (0, 0)),
    ],
    out_specs=pl.BlockSpec((_TC_R, C), lambda i: (i, 0)),
    out_shape=jax.ShapeDtypeStruct((N, C), jnp.float32),
)


@jax.jit
def kernel(x, edge_index, W_l0, b_l0, W_r0, W_l1, b_l1, W_r1):
  ones = jnp.ones((CH, CW), jnp.float32)
  zeros8 = jnp.zeros((N, CW), jnp.float32)
  zeros128 = jnp.zeros((N, D), jnp.float32)
  zeros64 = jnp.zeros((N, C), jnp.float32)

  agg0, cnt = _seg_sum_128(x, edge_index, ones, zeros8, zeros128)
  h, y1 = _layer0(agg0, cnt, x, W_l0, b_l0.reshape(1, D), W_r0, W_l1)
  (agg1,) = _seg_sum_64(y1, edge_index, ones, zeros8, zeros64)
  return _layer1(agg1, cnt, h, W_r1, b_l1.reshape(1, C))

# --- scband reference (transcript-rebuilt; emitter-appended) ---
"""Pipeline reference for scband-graph-conv-network-48043504173500 (READ-ONLY COPY).

The authoritative reference and input builder live on the scoring server;
editing this copy changes nothing except your own understanding.
"""

import jax, jax.numpy as jnp
import numpy as np

N, D, E, C = 10000, 128, 320000, 64

def setup_inputs(seed: int = 0) -> dict:
    key = jax.random.key(seed)
    ks = jax.random.split(key, 8)
    x = jax.random.normal(ks[0], (N, D), dtype=jnp.float32)
    edge_index = jax.random.randint(ks[1], (2, E), 0, N, dtype=jnp.int32)
    s0 = 1.0 / np.sqrt(D)
    W_l0 = jax.random.normal(ks[2], (D, D), dtype=jnp.float32) * s0
    b_l0 = jnp.zeros((D,), dtype=jnp.float32)
    W_r0 = jax.random.normal(ks[3], (D, D), dtype=jnp.float32) * s0
    W_l1 = jax.random.normal(ks[4], (D, C), dtype=jnp.float32) * s0
    b_l1 = jnp.zeros((C,), dtype=jnp.float32)
    W_r1 = jax.random.normal(ks[5], (D, C), dtype=jnp.float32) * s0
    return {"x": x, "edge_index": edge_index, "W_l0": W_l0, "b_l0": b_l0, "W_r0": W_r0, "W_l1": W_l1, "b_l1": b_l1, "W_r1": W_r1}

def _sage_conv(x, edge_index, W_l, b_l, W_r):
    # PyG SAGEConv: out = lin_l(mean_aggr(x_j)) + lin_r(x)
    src = edge_index[0]
    dst = edge_index[1]
    n = x.shape[0]
    msg = jnp.take(x, src, axis=0)
    agg = jax.ops.segment_sum(msg, dst, num_segments=n)
    cnt = jax.ops.segment_sum(jnp.ones((edge_index.shape[1],), x.dtype), dst, num_segments=n)
    mean = agg / jnp.maximum(cnt, 1.0)[:, None]
    return mean @ W_l + b_l + x @ W_r

def reference(x, edge_index, W_l0, b_l0, W_r0, W_l1, b_l1, W_r1):
    h = _sage_conv(x, edge_index, W_l0, b_l0, W_r0)
    h = jax.nn.relu(h)
    # dropout p=0.0 -> identity
    h = _sage_conv(h, edge_index, W_l1, b_l1, W_r1)
    h = jax.nn.relu(h)
    return jax.nn.log_softmax(h, axis=-1)

if __name__ == "__main__":
    import jax
    _d = setup_inputs()
    print(jax.jit(kernel)(*tuple(_d.values())))

</pallas_src>

<mosaic_0001>
#map = affine_map<(d0, d1) -> (0, 0)>
#map1 = affine_map<(d0, d1) -> (0, 0, 0)>
module attributes {stable_mosaic.version = 14 : i64} {
  func.func @body(%arg0: i32, %arg1: i32, %arg2: memref<10000x128xf32, #tpu.memory_space<hbm>>, %arg3: memref<2x320000xi32, #tpu.memory_space<hbm>>, %arg4: memref<40x8xf32, #tpu.memory_space<hbm>>, %arg5: memref<10000x8xf32, #tpu.memory_space<hbm>>, %arg6: memref<10000x128xf32, #tpu.memory_space<hbm>>, %arg7: memref<2x10000x128xf32, #tpu.memory_space<hbm>>, %arg8: memref<2x10000x8xf32, #tpu.memory_space<hbm>>, %arg9: memref<10000xi32, #tpu.memory_space<vmem>>, %arg10: memref<10000xi32, #tpu.memory_space<vmem>>, %arg11: memref<40x128xf32, #tpu.memory_space<vmem>>, %arg12: memref<40x128xf32, #tpu.memory_space<vmem>>, %arg13: memref<40x128xf32, #tpu.memory_space<vmem>>, %arg14: memref<40x128xf32, #tpu.memory_space<vmem>>, %arg15: memref<40x128xf32, #tpu.memory_space<vmem>>, %arg16: memref<10000x128xf32, #tpu.memory_space<vmem_shared>>, %arg17: memref<!tpu.dma_semaphore, #tpu.memory_space<semaphore_mem>>, %arg18: memref<!tpu.dma_semaphore, #tpu.memory_space<semaphore_mem>>, %arg19: memref<!tpu.dma_semaphore, #tpu.memory_space<semaphore_mem>>, %arg20: memref<!tpu.dma_semaphore, #tpu.memory_space<semaphore_mem>>, %arg21: memref<!tpu.dma_semaphore, #tpu.memory_space<semaphore_mem>>, %arg22: memref<40x8xf32, #tpu.memory_space<vmem>>, %arg23: memref<10000x8xf32, #tpu.memory_space<vmem_shared>>) attributes {dimension_semantics = [#tpu.dimension_semantics<core_parallel>, #tpu.dimension_semantics<subcore_parallel>], iteration_bounds = array<i64: 2, 16>, scalar_prefetch = 0 : i64, scratch_operands = 15 : i64, tpu.core_type = #tpu.core_type<sc_vector_subcore>, window_params = [{transform_indices = #map}, {transform_indices = #map}, {transform_indices = #map}, {transform_indices = #map}, {transform_indices = #map}, {transform_indices = #map1}, {transform_indices = #map1}]} {
    %mul3A = arith.constant 16 : i32
    %mul3A_0 = arith.muli %arg0, %mul3A : i32
    %add3A = arith.addi %mul3A_0, %arg1 : i32
    %mul3A_1 = arith.constant 624 : i32
    %mul3A_2 = arith.muli %arg1, %mul3A_1 : i32
    %mul3A_3 = arith.constant 624 : i32
    %mul3A_4 = arith.muli %arg1, %mul3A_3 : i32
    "tpu.region"() ({
      %run_scoped3A_75 = tpu.sem_alloc : memref<!tpu.dma_semaphore, #tpu.memory_space<semaphore_mem>>
      %dma_start3A_76 = arith.constant 0 : i32
      %dma_start3A_77 = tpu.memref_slice %arg16[%mul3A_4, %dma_start3A_76] : memref<10000x128xf32, #tpu.memory_space<vmem_shared>> -> memref<640x128xf32, #tpu.memory_space<vmem_shared>>
      %dma_start3A_78 = arith.constant 0 : i32
      %dma_start3A_79 = tpu.memref_slice %arg6[%mul3A_2, %dma_start3A_78] : memref<10000x128xf32, #tpu.memory_space<hbm>> -> memref<640x128xf32, #tpu.memory_space<hbm>>
      tpu.enqueue_dma source(%dma_start3A_79 : memref<640x128xf32, #tpu.memory_space<hbm>>) target(%dma_start3A_77 : memref<640x128xf32, #tpu.memory_space<vmem_shared>>) target_semaphore(%run_scoped3A_75 : memref<!tpu.dma_semaphore, #tpu.memory_space<semaphore_mem>>)
      %dma_wait3A_80 = arith.constant 0 : i32
      %dma_wait3A_81 = tpu.memref_slice %arg16[%mul3A_4, %dma_wait3A_80] : memref<10000x128xf32, #tpu.memory_space<vmem_shared>> -> memref<640x128xf32, #tpu.memory_space<vmem_shared>>
      %dma_wait3A_82 = arith.constant 0 : i32
      %dma_wait3A_83 = tpu.memref_slice %arg6[%mul3A_2, %dma_wait3A_82] : memref<10000x128xf32, #tpu.memory_space<hbm>> -> memref<640x128xf32, #tpu.memory_space<hbm>>
      tpu.wait_dma2 semaphore(%run_scoped3A_75 : memref<!tpu.dma_semaphore, #tpu.memory_space<semaphore_mem>>) src(%dma_wait3A_83 : memref<640x128xf32, #tpu.memory_space<hbm>>) dst(%dma_wait3A_81 : memref<640x128xf32, #tpu.memory_space<vmem_shared>>)
      tpu.yield
    }) : () -> ()
    "tpu.region"() ({
      %run_scoped3A_75 = tpu.sem_alloc : memref<!tpu.dma_semaphore, #tpu.memory_space<semaphore_mem>>
      tpu.enqueue_dma source(%arg4 : memref<40x8xf32, #tpu.memory_space<hbm>>) target(%arg22 : memref<40x8xf32, #tpu.memory_space<vmem>>) target_semaphore(%run_scoped3A_75 : memref<!tpu.dma_semaphore, #tpu.memory_space<semaphore_mem>>)
      tpu.wait_dma2 semaphore(%run_scoped3A_75 : memref<!tpu.dma_semaphore, #tpu.memory_space<semaphore_mem>>) src(%arg4 : memref<40x8xf32, #tpu.memory_space<hbm>>) dst(%arg22 : memref<40x8xf32, #tpu.memory_space<vmem>>)
      tpu.yield
    }) : () -> ()
    %mul3A_5 = arith.constant 624 : i32
    %mul3A_6 = arith.muli %arg1, %mul3A_5 : i32
    %mul3A_7 = arith.constant 624 : i32
    %mul3A_8 = arith.muli %arg1, %mul3A_7 : i32
    "tpu.region"() ({
      %run_scoped3A_75 = tpu.sem_alloc : memref<!tpu.dma_semaphore, #tpu.memory_space<semaphore_mem>>
      %dma_start3A_76 = arith.constant 0 : i32
      %dma_start3A_77 = tpu.memref_slice %arg23[%mul3A_8, %dma_start3A_76] : memref<10000x8xf32, #tpu.memory_space<vmem_shared>> -> memref<640x8xf32, #tpu.memory_space<vmem_shared>>
      %dma_start3A_78 = arith.constant 0 : i32
      %dma_start3A_79 = tpu.memref_slice %arg5[%mul3A_6, %dma_start3A_78] : memref<10000x8xf32, #tpu.memory_space<hbm>> -> memref<640x8xf32, #tpu.memory_space<hbm>>
      tpu.enqueue_dma source(%dma_start3A_79 : memref<640x8xf32, #tpu.memory_space<hbm>>) target(%dma_start3A_77 : memref<640x8xf32, #tpu.memory_space<vmem_shared>>) target_semaphore(%run_scoped3A_75 : memref<!tpu.dma_semaphore, #tpu.memory_space<semaphore_mem>>)
      %dma_wait3A_80 = arith.constant 0 : i32
      %dma_wait3A_81 = tpu.memref_slice %arg23[%mul3A_8, %dma_wait3A_80] : memref<10000x8xf32, #tpu.memory_space<vmem_shared>> -> memref<640x8xf32, #tpu.memory_space<vmem_shared>>
      %dma_wait3A_82 = arith.constant 0 : i32
      %dma_wait3A_83 = tpu.memref_slice %arg5[%mul3A_6, %dma_wait3A_82] : memref<10000x8xf32, #tpu.memory_space<hbm>> -> memref<640x8xf32, #tpu.memory_space<hbm>>
      tpu.wait_dma2 semaphore(%run_scoped3A_75 : memref<!tpu.dma_semaphore, #tpu.memory_space<semaphore_mem>>) src(%dma_wait3A_83 : memref<640x8xf32, #tpu.memory_space<hbm>>) dst(%dma_wait3A_81 : memref<640x8xf32, #tpu.memory_space<vmem_shared>>)
      tpu.yield
    }) : () -> ()
    %mul3A_9 = arith.constant 10000 : i32
    %mul3A_10 = arith.muli %add3A, %mul3A_9 : i32
    %run_scoped3A = arith.constant 0 : i32
    "tpu.region"() ({
      %run_scoped3A_75 = tpu.sem_alloc : memref<!tpu.dma_semaphore, #tpu.memory_space<semaphore_mem>>
      %dma_start3A_76 = tpu.memref_slice %arg3[%run_scoped3A, %mul3A_10] : memref<2x320000xi32, #tpu.memory_space<hbm>> -> memref<1x10000xi32, #tpu.memory_space<hbm>>
      %dma_start3A_77 = tpu.memref_squeeze %dma_start3A_76 : memref<1x10000xi32, #tpu.memory_space<hbm>> -> memref<10000xi32, #tpu.memory_space<hbm>>
      %dma_start3A_78 = tpu.memref_slice %arg3[%run_scoped3A, %mul3A_10] : memref<2x320000xi32, #tpu.memory_space<hbm>> -> memref<1x10000xi32, #tpu.memory_space<hbm>>
      %dma_start3A_79 = tpu.memref_squeeze %dma_start3A_78 : memref<1x10000xi32, #tpu.memory_space<hbm>> -> memref<10000xi32, #tpu.memory_space<hbm>>
      tpu.enqueue_dma source(%dma_start3A_79 : memref<10000xi32, #tpu.memory_space<hbm>>) target(%arg9 : memref<10000xi32, #tpu.memory_space<vmem>>) target_semaphore(%run_scoped3A_75 : memref<!tpu.dma_semaphore, #tpu.memory_space<semaphore_mem>>)
      %dma_wait3A_80 = tpu.memref_slice %arg3[%run_scoped3A, %mul3A_10] : memref<2x320000xi32, #tpu.memory_space<hbm>> -> memref<1x10000xi32, #tpu.memory_space<hbm>>
      %dma_wait3A_81 = tpu.memref_squeeze %dma_wait3A_80 : memref<1x10000xi32, #tpu.memory_space<hbm>> -> memref<10000xi32, #tpu.memory_space<hbm>>
      %dma_wait3A_82 = tpu.memref_slice %arg3[%run_scoped3A, %mul3A_10] : memref<2x320000xi32, #tpu.memory_space<hbm>> -> memref<1x10000xi32, #tpu.memory_space<hbm>>
      %dma_wait3A_83 = tpu.memref_squeeze %dma_wait3A_82 : memref<1x10000xi32, #tpu.memory_space<hbm>> -> memref<10000xi32, #tpu.memory_space<hbm>>
      tpu.wait_dma2 semaphore(%run_scoped3A_75 : memref<!tpu.dma_semaphore, #tpu.memory_space<semaphore_mem>>) src(%dma_wait3A_83 : memref<10000xi32, #tpu.memory_space<hbm>>) dst(%arg9 : memref<10000xi32, #tpu.memory_space<vmem>>)
      tpu.yield
    }) : () -> ()
    %mul3A_11 = arith.constant 10000 : i32
    %mul3A_12 = arith.muli %add3A, %mul3A_11 : i32
    %run_scoped3A_13 = arith.constant 1 : i32
    "tpu.region"() ({
      %run_scoped3A_75 = tpu.sem_alloc : memref<!tpu.dma_semaphore, #tpu.memory_space<semaphore_mem>>
      %dma_start3A_76 = tpu.memref_slice %arg3[%run_scoped3A_13, %mul3A_12] : memref<2x320000xi32, #tpu.memory_space<hbm>> -> memref<1x10000xi32, #tpu.memory_space<hbm>>
      %dma_start3A_77 = tpu.memref_squeeze %dma_start3A_76 : memref<1x10000xi32, #tpu.memory_space<hbm>> -> memref<10000xi32, #tpu.memory_space<hbm>>
      %dma_start3A_78 = tpu.memref_slice %arg3[%run_scoped3A_13, %mul3A_12] : memref<2x320000xi32, #tpu.memory_space<hbm>> -> memref<1x10000xi32, #tpu.memory_space<hbm>>
      %dma_start3A_79 = tpu.memref_squeeze %dma_start3A_78 : memref<1x10000xi32, #tpu.memory_space<hbm>> -> memref<10000xi32, #tpu.memory_space<hbm>>
      tpu.enqueue_dma source(%dma_start3A_79 : memref<10000xi32, #tpu.memory_space<hbm>>) target(%arg10 : memref<10000xi32, #tpu.memory_space<vmem>>) target_semaphore(%run_scoped3A_75 : memref<!tpu.dma_semaphore, #tpu.memory_space<semaphore_mem>>)
      %dma_wait3A_80 = tpu.memref_slice %arg3[%run_scoped3A_13, %mul3A_12] : memref<2x320000xi32, #tpu.memory_space<hbm>> -> memref<1x10000xi32, #tpu.memory_space<hbm>>
      %dma_wait3A_81 = tpu.memref_squeeze %dma_wait3A_80 : memref<1x10000xi32, #tpu.memory_space<hbm>> -> memref<10000xi32, #tpu.memory_space<hbm>>
      %dma_wait3A_82 = tpu.memref_slice %arg3[%run_scoped3A_13, %mul3A_12] : memref<2x320000xi32, #tpu.memory_space<hbm>> -> memref<1x10000xi32, #tpu.memory_space<hbm>>
      %dma_wait3A_83 = tpu.memref_squeeze %dma_wait3A_82 : memref<1x10000xi32, #tpu.memory_space<hbm>> -> memref<10000xi32, #tpu.memory_space<hbm>>
      tpu.wait_dma2 semaphore(%run_scoped3A_75 : memref<!tpu.dma_semaphore, #tpu.memory_space<semaphore_mem>>) src(%dma_wait3A_83 : memref<10000xi32, #tpu.memory_space<hbm>>) dst(%arg10 : memref<10000xi32, #tpu.memory_space<vmem>>)
      tpu.yield
    }) : () -> ()
    %barrier3A = arith.constant 0 : index
    tpu.barrier barrier_id(%barrier3A)
    %dma_start3A = arith.constant 0 : i32
    %dma_start3A_14 = tpu.memref_slice %arg9[%dma_start3A] : memref<10000xi32, #tpu.memory_space<vmem>> -> memref<40xi32, #tpu.memory_space<vmem>>
    %dma_start3A_15 = arith.constant 0 : i32
    %dma_start3A_16 = arith.constant 0 : i32
    %dma_start3A_17 = tpu.memref_slice %arg2[%dma_start3A_15, %dma_start3A_16] : memref<10000x128xf32, #tpu.memory_space<hbm>> -> memref<10000x128xf32, #tpu.memory_space<hbm>>
    tpu.enqueue_indirect_dma source(%dma_start3A_17 : memref<10000x128xf32, #tpu.memory_space<hbm>>) target(%arg11 : memref<40x128xf32, #tpu.memory_space<vmem>>) offsets(%dma_start3A_14 : memref<40xi32, #tpu.memory_space<vmem>>) semaphore(%arg17 : memref<!tpu.dma_semaphore, #tpu.memory_space<semaphore_mem>>)
    %dma_start3A_18 = arith.constant 40 : i32
    %dma_start3A_19 = tpu.memref_slice %arg9[%dma_start3A_18] : memref<10000xi32, #tpu.memory_space<vmem>> -> memref<40xi32, #tpu.memory_space<vmem>>
    %dma_start3A_20 = arith.constant 0 : i32
    %dma_start3A_21 = arith.constant 0 : i32
    %dma_start3A_22 = tpu.memref_slice %arg2[%dma_start3A_20, %dma_start3A_21] : memref<10000x128xf32, #tpu.memory_space<hbm>> -> memref<10000x128xf32, #tpu.memory_space<hbm>>
    tpu.enqueue_indirect_dma source(%dma_start3A_22 : memref<10000x128xf32, #tpu.memory_space<hbm>>) target(%arg12 : memref<40x128xf32, #tpu.memory_space<vmem>>) offsets(%dma_start3A_19 : memref<40xi32, #tpu.memory_space<vmem>>) semaphore(%arg18 : memref<!tpu.dma_semaphore, #tpu.memory_space<semaphore_mem>>)
    %dma_start3A_23 = arith.constant 80 : i32
    %dma_start3A_24 = tpu.memref_slice %arg9[%dma_start3A_23] : memref<10000xi32, #tpu.memory_space<vmem>> -> memref<40xi32, #tpu.memory_space<vmem>>
    %dma_start3A_25 = arith.constant 0 : i32
    %dma_start3A_26 = arith.constant 0 : i32
    %dma_start3A_27 = tpu.memref_slice %arg2[%dma_start3A_25, %dma_start3A_26] : memref<10000x128xf32, #tpu.memory_space<hbm>> -> memref<10000x128xf32, #tpu.memory_space<hbm>>
    tpu.enqueue_indirect_dma source(%dma_start3A_27 : memref<10000x128xf32, #tpu.memory_space<hbm>>) target(%arg13 : memref<40x128xf32, #tpu.memory_space<vmem>>) offsets(%dma_start3A_24 : memref<40xi32, #tpu.memory_space<vmem>>) semaphore(%arg19 : memref<!tpu.dma_semaphore, #tpu.memory_space<semaphore_mem>>)
    %dma_start3A_28 = arith.constant 120 : i32
    %dma_start3A_29 = tpu.memref_slice %arg9[%dma_start3A_28] : memref<10000xi32, #tpu.memory_space<vmem>> -> memref<40xi32, #tpu.memory_space<vmem>>
    %dma_start3A_30 = arith.constant 0 : i32
    %dma_start3A_31 = arith.constant 0 : i32
    %dma_start3A_32 = tpu.memref_slice %arg2[%dma_start3A_30, %dma_start3A_31] : memref<10000x128xf32, #tpu.memory_space<hbm>> -> memref<10000x128xf32, #tpu.memory_space<hbm>>
    tpu.enqueue_indirect_dma source(%dma_start3A_32 : memref<10000x128xf32, #tpu.memory_space<hbm>>) target(%arg14 : memref<40x128xf32, #tpu.memory_space<vmem>>) offsets(%dma_start3A_29 : memref<40xi32, #tpu.memory_space<vmem>>) semaphore(%arg20 : memref<!tpu.dma_semaphore, #tpu.memory_space<semaphore_mem>>)
    %dma_start3A_33 = arith.constant 160 : i32
    %dma_start3A_34 = tpu.memref_slice %arg9[%dma_start3A_33] : memref<10000xi32, #tpu.memory_space<vmem>> -> memref<40xi32, #tpu.memory_space<vmem>>
    %dma_start3A_35 = arith.constant 0 : i32
    %dma_start3A_36 = arith.constant 0 : i32
    %dma_start3A_37 = tpu.memref_slice %arg2[%dma_start3A_35, %dma_start3A_36] : memref<10000x128xf32, #tpu.memory_space<hbm>> -> memref<10000x128xf32, #tpu.memory_space<hbm>>
    tpu.enqueue_indirect_dma source(%dma_start3A_37 : memref<10000x128xf32, #tpu.memory_space<hbm>>) target(%arg15 : memref<40x128xf32, #tpu.memory_space<vmem>>) offsets(%dma_start3A_34 : memref<40xi32, #tpu.memory_space<vmem>>) semaphore(%arg21 : memref<!tpu.dma_semaphore, #tpu.memory_space<semaphore_mem>>)
    %scan3A = arith.constant 0 : i32
    %scan3A_38 = arith.constant 49 : i32
    %scan3A_39 = arith.addi %scan3A, %scan3A_38 : i32
    %scan3A_40 = arith.constant 1 : i32
    scf.for %scan3A_75 = %scan3A to %scan3A_39 step %scan3A_40  : i32 {
      %mul3A_76 = arith.constant 5 : i32
      %mul3A_77 = arith.muli %scan3A_75, %mul3A_76 : i32
      %add3A_78 = arith.constant 0 : i32
      %add3A_79 = arith.addi %add3A_78, %mul3A_77 : i32
      %add3A_80 = arith.constant 0 : i32
      %add3A_81 = arith.addi %add3A_79, %add3A_80 : i32
      %mul3A_82 = arith.constant 40 : i32
      %mul3A_83 = arith.muli %add3A_81, %mul3A_82 : i32
      %dma_wait3A_84 = tpu.memref_slice %arg9[%mul3A_83] : memref<10000xi32, #tpu.memory_space<vmem>> -> memref<40xi32, #tpu.memory_space<vmem>>
      %dma_wait3A_85 = arith.constant 0 : i32
      %dma_wait3A_86 = arith.constant 0 : i32
      %dma_wait3A_87 = tpu.memref_slice %arg2[%dma_wait3A_85, %dma_wait3A_86] : memref<10000x128xf32, #tpu.memory_space<hbm>> -> memref<10000x128xf32, #tpu.memory_space<hbm>>
      tpu.wait_indirect_dma semaphore(%arg17 : memref<!tpu.dma_semaphore, #tpu.memory_space<semaphore_mem>>) src(%dma_wait3A_87 : memref<10000x128xf32, #tpu.memory_space<hbm>>) dst(%arg11 : memref<40x128xf32, #tpu.memory_space<vmem>>)
      %add3A_88 = arith.constant 0 : i32
      %add3A_89 = arith.addi %add3A_79, %add3A_88 : i32
      %mul3A_90 = arith.constant 40 : i32
      %mul3A_91 = arith.muli %add3A_89, %mul3A_90 : i32
      "tpu.region"() ({
        %run_scoped3A_200 = tpu.sem_alloc : memref<!tpu.dma_semaphore, #tpu.memory_space<semaphore_mem>>
        %dma_start3A_201 = tpu.memref_slice %arg10[%mul3A_91] : memref<10000xi32, #tpu.memory_space<vmem>> -> memref<40xi32, #tpu.memory_space<vmem>>
        %dma_start3A_202 = arith.constant 0 : i32
        %dma_start3A_203 = arith.constant 0 : i32
        %dma_start3A_204 = tpu.memref_slice %arg16[%dma_start3A_202, %dma_start3A_203] : memref<10000x128xf32, #tpu.memory_space<vmem_shared>> -> memref<10000x128xf32, #tpu.memory_space<vmem_shared>>
        tpu.enqueue_indirect_dma source(%arg11 : memref<40x128xf32, #tpu.memory_space<vmem>>) target(%dma_start3A_204 : memref<10000x128xf32, #tpu.memory_space<vmem_shared>>) offsets(%dma_start3A_201 : memref<40xi32, #tpu.memory_space<vmem>>) semaphore(%run_scoped3A_200 : memref<!tpu.dma_semaphore, #tpu.memory_space<semaphore_mem>>) {add = true}
        %dma_wait3A_205 = tpu.memref_slice %arg10[%mul3A_91] : memref<10000xi32, #tpu.memory_space<vmem>> -> memref<40xi32, #tpu.memory_space<vmem>>
        %dma_wait3A_206 = arith.constant 0 : i32
        %dma_wait3A_207 = arith.constant 0 : i32
        %dma_wait3A_208 = tpu.memref_slice %arg16[%dma_wait3A_206, %dma_wait3A_207] : memref<10000x128xf32, #tpu.memory_space<vmem_shared>> -> memref<10000x128xf32, #tpu.memory_space<vmem_shared>>
        tpu.wait_indirect_dma semaphore(%run_scoped3A_200 : memref<!tpu.dma_semaphore, #tpu.memory_space<semaphore_mem>>) src(%arg11 : memref<40x128xf32, #tpu.memory_space<vmem>>) dst(%dma_wait3A_208 : memref<10000x128xf32, #tpu.memory_space<vmem_shared>>)
        tpu.yield
      }) : () -> ()
      %mul3A_92 = arith.constant 40 : i32
      %mul3A_93 = arith.muli %add3A_89, %mul3A_92 : i32
      "tpu.region"() ({
        %run_scoped3A_200 = tpu.sem_alloc : memref<!tpu.dma_semaphore, #tpu.memory_space<semaphore_mem>>
        %dma_start3A_201 = tpu.memref_slice %arg10[%mul3A_93] : memref<10000xi32, #tpu.memory_space<vmem>> -> memref<40xi32, #tpu.memory_space<vmem>>
        %dma_start3A_202 = arith.constant 0 : i32
        %dma_start3A_203 = arith.constant 0 : i32
        %dma_start3A_204 = tpu.memref_slice %arg23[%dma_start3A_202, %dma_start3A_203] : memref<10000x8xf32, #tpu.memory_space<vmem_shared>> -> memref<10000x8xf32, #tpu.memory_space<vmem_shared>>
        tpu.enqueue_indirect_dma source(%arg22 : memref<40x8xf32, #tpu.memory_space<vmem>>) target(%dma_start3A_204 : memref<10000x8xf32, #tpu.memory_space<vmem_shared>>) offsets(%dma_start3A_201 : memref<40xi32, #tpu.memory_space<vmem>>) semaphore(%run_scoped3A_200 : memref<!tpu.dma_semaphore, #tpu.memory_space<semaphore_mem>>) {add = true}
        %dma_wait3A_205 = tpu.memref_slice %arg10[%mul3A_93] : memref<10000xi32, #tpu.memory_space<vmem>> -> memref<40xi32, #tpu.memory_space<vmem>>
        %dma_wait3A_206 = arith.constant 0 : i32
        %dma_wait3A_207 = arith.constant 0 : i32
        %dma_wait3A_208 = tpu.memref_slice %arg23[%dma_wait3A_206, %dma_wait3A_207] : memref<10000x8xf32, #tpu.memory_space<vmem_shared>> -> memref<10000x8xf32, #tpu.memory_space<vmem_shared>>
        tpu.wait_indirect_dma semaphore(%run_scoped3A_200 : memref<!tpu.dma_semaphore, #tpu.memory_space<semaphore_mem>>) src(%arg22 : memref<40x8xf32, #tpu.memory_space<vmem>>) dst(%dma_wait3A_208 : memref<10000x8xf32, #tpu.memory_space<vmem_shared>>)
        tpu.yield
      }) : () -> ()
      %add3A_94 = arith.constant 0 : i32
      %add3A_95 = arith.addi %add3A_79, %add3A_94 : i32
      %add3A_96 = arith.constant 5 : i32
      %add3A_97 = arith.addi %add3A_95, %add3A_96 : i32
      %mul3A_98 = arith.constant 40 : i32
      %mul3A_99 = arith.muli %add3A_97, %mul3A_98 : i32
      %dma_start3A_100 = tpu.memref_slice %arg9[%mul3A_99] : memref<10000xi32, #tpu.memory_space<vmem>> -> memref<40xi32, #tpu.memory_space<vmem>>
      %dma_start3A_101 = arith.constant 0 : i32
      %dma_start3A_102 = arith.constant 0 : i32
      %dma_start3A_103 = tpu.memref_slice %arg2[%dma_start3A_101, %dma_start3A_102] : memref<10000x128xf32, #tpu.memory_space<hbm>> -> memref<10000x128xf32, #tpu.memory_space<hbm>>
      tpu.enqueue_indirect_dma source(%dma_start3A_103 : memref<10000x128xf32, #tpu.memory_space<hbm>>) target(%arg11 : memref<40x128xf32, #tpu.memory_space<vmem>>) offsets(%dma_start3A_100 : memref<40xi32, #tpu.memory_space<vmem>>) semaphore(%arg17 : memref<!tpu.dma_semaphore, #tpu.memory_space<semaphore_mem>>)
      %add3A_104 = arith.constant 1 : i32
      %add3A_105 = arith.addi %add3A_79, %add3A_104 : i32
      %mul3A_106 = arith.constant 40 : i32
      %mul3A_107 = arith.muli %add3A_105, %mul3A_106 : i32
      %dma_wait3A_108 = tpu.memref_slice %arg9[%mul3A_107] : memref<10000xi32, #tpu.memory_space<vmem>> -> memref<40xi32, #tpu.memory_space<vmem>>
      %dma_wait3A_109 = arith.constant 0 : i32
      %dma_wait3A_110 = arith.constant 0 : i32
      %dma_wait3A_111 = tpu.memref_slice %arg2[%dma_wait3A_109, %dma_wait3A_110] : memref<10000x128xf32, #tpu.memory_space<hbm>> -> memref<10000x128xf32, #tpu.memory_space<hbm>>
      tpu.wait_indirect_dma semaphore(%arg18 : memref<!tpu.dma_semaphore, #tpu.memory_space<semaphore_mem>>) src(%dma_wait3A_111 : memref<10000x128xf32, #tpu.memory_space<hbm>>) dst(%arg12 : memref<40x128xf32, #tpu.memory_space<vmem>>)
      %add3A_112 = arith.constant 1 : i32
      %add3A_113 = arith.addi %add3A_79, %add3A_112 : i32
      %mul3A_114 = arith.constant 40 : i32
      %mul3A_115 = arith.muli %add3A_113, %mul3A_114 : i32
      "tpu.region"() ({
        %run_scoped3A_200 = tpu.sem_alloc : memref<!tpu.dma_semaphore, #tpu.memory_space<semaphore_mem>>
        %dma_start3A_201 = tpu.memref_slice %arg10[%mul3A_115] : memref<10000xi32, #tpu.memory_space<vmem>> -> memref<40xi32, #tpu.memory_space<vmem>>
        %dma_start3A_202 = arith.constant 0 : i32
        %dma_start3A_203 = arith.constant 0 : i32
        %dma_start3A_204 = tpu.memref_slice %arg16[%dma_start3A_202, %dma_start3A_203] : memref<10000x128xf32, #tpu.memory_space<vmem_shared>> -> memref<10000x128xf32, #tpu.memory_space<vmem_shared>>
        tpu.enqueue_indirect_dma source(%arg12 : memref<40x128xf32, #tpu.memory_space<vmem>>) target(%dma_start3A_204 : memref<10000x128xf32, #tpu.memory_space<vmem_shared>>) offsets(%dma_start3A_201 : memref<40xi32, #tpu.memory_space<vmem>>) semaphore(%run_scoped3A_200 : memref<!tpu.dma_semaphore, #tpu.memory_space<semaphore_mem>>) {add = true}
        %dma_wait3A_205 = tpu.memref_slice %arg10[%mul3A_115] : memref<10000xi32, #tpu.memory_space<vmem>> -> memref<40xi32, #tpu.memory_space<vmem>>
        %dma_wait3A_206 = arith.constant 0 : i32
        %dma_wait3A_207 = arith.constant 0 : i32
        %dma_wait3A_208 = tpu.memref_slice %arg16[%dma_wait3A_206, %dma_wait3A_207] : memref<10000x128xf32, #tpu.memory_space<vmem_shared>> -> memref<10000x128xf32, #tpu.memory_space<vmem_shared>>
        tpu.wait_indirect_dma semaphore(%run_scoped3A_200 : memref<!tpu.dma_semaphore, #tpu.memory_space<semaphore_mem>>) src(%arg12 : memref<40x128xf32, #tpu.memory_space<vmem>>) dst(%dma_wait3A_208 : memref<10000x128xf32, #tpu.memory_space<vmem_shared>>)
        tpu.yield
      }) : () -> ()
      %mul3A_116 = arith.constant 40 : i32
      %mul3A_117 = arith.muli %add3A_113, %mul3A_116 : i32
      "tpu.region"() ({
        %run_scoped3A_200 = tpu.sem_alloc : memref<!tpu.dma_semaphore, #tpu.memory_space<semaphore_mem>>
        %dma_start3A_201 = tpu.memref_slice %arg10[%mul3A_117] : memref<10000xi32, #tpu.memory_space<vmem>> -> memref<40xi32, #tpu.memory_space<vmem>>
        %dma_start3A_202 = arith.constant 0 : i32
        %dma_start3A_203 = arith.constant 0 : i32
        %dma_start3A_204 = tpu.memref_slice %arg23[%dma_start3A_202, %dma_start3A_203] : memref<10000x8xf32, #tpu.memory_space<vmem_shared>> -> memref<10000x8xf32, #tpu.memory_space<vmem_shared>>
        tpu.enqueue_indirect_dma source(%arg22 : memref<40x8xf32, #tpu.memory_space<vmem>>) target(%dma_start3A_204 : memref<10000x8xf32, #tpu.memory_space<vmem_shared>>) offsets(%dma_start3A_201 : memref<40xi32, #tpu.memory_space<vmem>>) semaphore(%run_scoped3A_200 : memref<!tpu.dma_semaphore, #tpu.memory_space<semaphore_mem>>) {add = true}
        %dma_wait3A_205 = tpu.memref_slice %arg10[%mul3A_117] : memref<10000xi32, #tpu.memory_space<vmem>> -> memref<40xi32, #tpu.memory_space<vmem>>
        %dma_wait3A_206 = arith.constant 0 : i32
        %dma_wait3A_207 = arith.constant 0 : i32
        %dma_wait3A_208 = tpu.memref_slice %arg23[%dma_wait3A_206, %dma_wait3A_207] : memref<10000x8xf32, #tpu.memory_space<vmem_shared>> -> memref<10000x8xf32, #tpu.memory_space<vmem_shared>>
        tpu.wait_indirect_dma semaphore(%run_scoped3A_200 : memref<!tpu.dma_semaphore, #tpu.memory_space<semaphore_mem>>) src(%arg22 : memref<40x8xf32, #tpu.memory_space<vmem>>) dst(%dma_wait3A_208 : memref<10000x8xf32, #tpu.memory_space<vmem_shared>>)
        tpu.yield
      }) : () -> ()
      %add3A_118 = arith.constant 1 : i32
      %add3A_119 = arith.addi %add3A_79, %add3A_118 : i32
      %add3A_120 = arith.constant 5 : i32
      %add3A_121 = arith.addi %add3A_119, %add3A_120 : i32
      %mul3A_122 = arith.constant 40 : i32
      %mul3A_123 = arith.muli %add3A_121, %mul3A_122 : i32
      %dma_start3A_124 = tpu.memref_slice %arg9[%mul3A_123] : memref<10000xi32, #tpu.memory_space<vmem>> -> memref<40xi32, #tpu.memory_space<vmem>>
      %dma_start3A_125 = arith.constant 0 : i32
      %dma_start3A_126 = arith.constant 0 : i32
      %dma_start3A_127 = tpu.memref_slice %arg2[%dma_start3A_125, %dma_start3A_126] : memref<10000x128xf32, #tpu.memory_space<hbm>> -> memref<10000x128xf32, #tpu.memory_space<hbm>>
      tpu.enqueue_indirect_dma source(%dma_start3A_127 : memref<10000x128xf32, #tpu.memory_space<hbm>>) target(%arg12 : memref<40x128xf32, #tpu.memory_space<vmem>>) offsets(%dma_start3A_124 : memref<40xi32, #tpu.memory_space<vmem>>) semaphore(%arg18 : memref<!tpu.dma_semaphore, #tpu.memory_space<semaphore_mem>>)
      %add3A_128 = arith.constant 2 : i32
      %add3A_129 = arith.addi %add3A_79, %add3A_128 : i32
      %mul3A_130 = arith.constant 40 : i32
      %mul3A_131 = arith.muli %add3A_129, %mul3A_130 : i32
      %dma_wait3A_132 = tpu.memref_slice %arg9[%mul3A_131] : memref<10000xi32, #tpu.memory_space<vmem>> -> memref<40xi32, #tpu.memory_space<vmem>>
      %dma_wait3A_133 = arith.constant 0 : i32
      %dma_wait3A_134 = arith.constant 0 : i32
      %dma_wait3A_135 = tpu.memref_slice %arg2[%dma_wait3A_133, %dma_wait3A_134] : memref<10000x128xf32, #tpu.memory_space<hbm>> -> memref<10000x128xf32, #tpu.memory_space<hbm>>
      tpu.wait_indirect_dma semaphore(%arg19 : memref<!tpu.dma_semaphore, #tpu.memory_space<semaphore_mem>>) src(%dma_wait3A_135 : memref<10000x128xf32, #tpu.memory_space<hbm>>) dst(%arg13 : memref<40x128xf32, #tpu.memory_space<vmem>>)
      %add3A_136 = arith.constant 2 : i32
      %add3A_137 = arith.addi %add3A_79, %add3A_136 : i32
      %mul3A_138 = arith.constant 40 : i32
      %mul3A_139 = arith.muli %add3A_137, %mul3A_138 : i32
      "tpu.region"() ({
        %run_scoped3A_200 = tpu.sem_alloc : memref<!tpu.dma_semaphore, #tpu.memory_space<semaphore_mem>>
        %dma_start3A_201 = tpu.memref_slice %arg10[%mul3A_139] : memref<10000xi32, #tpu.memory_space<vmem>> -> memref<40xi32, #tpu.memory_space<vmem>>
        %dma_start3A_202 = arith.constant 0 : i32
        %dma_start3A_203 = arith.constant 0 : i32
        %dma_start3A_204 = tpu.memref_slice %arg16[%dma_start3A_202, %dma_start3A_203] : memref<10000x128xf32, #tpu.memory_space<vmem_shared>> -> memref<10000x128xf32, #tpu.memory_space<vmem_shared>>
        tpu.enqueue_indirect_dma source(%arg13 : memref<40x128xf32, #tpu.memory_space<vmem>>) target(%dma_start3A_204 : memref<10000x128xf32, #tpu.memory_space<vmem_shared>>) offsets(%dma_start3A_201 : memref<40xi32, #tpu.memory_space<vmem>>) semaphore(%run_scoped3A_200 : memref<!tpu.dma_semaphore, #tpu.memory_space<semaphore_mem>>) {add = true}
        %dma_wait3A_205 = tpu.memref_slice %arg10[%mul3A_139] : memref<10000xi32, #tpu.memory_space<vmem>> -> memref<40xi32, #tpu.memory_space<vmem>>
        %dma_wait3A_206 = arith.constant 0 : i32
        %dma_wait3A_207 = arith.constant 0 : i32
        %dma_wait3A_208 = tpu.memref_slice %arg16[%dma_wait3A_206, %dma_wait3A_207] : memref<10000x128xf32, #tpu.memory_space<vmem_shared>> -> memref<10000x128xf32, #tpu.memory_space<vmem_shared>>
        tpu.wait_indirect_dma semaphore(%run_scoped3A_200 : memref<!tpu.dma_semaphore, #tpu.memory_space<semaphore_mem>>) src(%arg13 : memref<40x128xf32, #tpu.memory_space<vmem>>) dst(%dma_wait3A_208 : memref<10000x128xf32, #tpu.memory_space<vmem_shared>>)
        tpu.yield
      }) : () -> ()
      %mul3A_140 = arith.constant 40 : i32
      %mul3A_141 = arith.muli %add3A_137, %mul3A_140 : i32
      "tpu.region"() ({
        %run_scoped3A_200 = tpu.sem_alloc : memref<!tpu.dma_semaphore, #tpu.memory_space<semaphore_mem>>
        %dma_start3A_201 = tpu.memref_slice %arg10[%mul3A_141] : memref<10000xi32, #tpu.memory_space<vmem>> -> memref<40xi32, #tpu.memory_space<vmem>>
        %dma_start3A_202 = arith.constant 0 : i32
        %dma_start3A_203 = arith.constant 0 : i32
        %dma_start3A_204 = tpu.memref_slice %arg23[%dma_start3A_202, %dma_start3A_203] : memref<10000x8xf32, #tpu.memory_space<vmem_shared>> -> memref<10000x8xf32, #tpu.memory_space<vmem_shared>>
        tpu.enqueue_indirect_dma source(%arg22 : memref<40x8xf32, #tpu.memory_space<vmem>>) target(%dma_start3A_204 : memref<10000x8xf32, #tpu.memory_space<vmem_shared>>) offsets(%dma_start3A_201 : memref<40xi32, #tpu.memory_space<vmem>>) semaphore(%run_scoped3A_200 : memref<!tpu.dma_semaphore, #tpu.memory_space<semaphore_mem>>) {add = true}
        %dma_wait3A_205 = tpu.memref_slice %arg10[%mul3A_141] : memref<10000xi32, #tpu.memory_space<vmem>> -> memref<40xi32, #tpu.memory_space<vmem>>
        %dma_wait3A_206 = arith.constant 0 : i32
        %dma_wait3A_207 = arith.constant 0 : i32
        %dma_wait3A_208 = tpu.memref_slice %arg23[%dma_wait3A_206, %dma_wait3A_207] : memref<10000x8xf32, #tpu.memory_space<vmem_shared>> -> memref<10000x8xf32, #tpu.memory_space<vmem_shared>>
        tpu.wait_indirect_dma semaphore(%run_scoped3A_200 : memref<!tpu.dma_semaphore, #tpu.memory_space<semaphore_mem>>) src(%arg22 : memref<40x8xf32, #tpu.memory_space<vmem>>) dst(%dma_wait3A_208 : memref<10000x8xf32, #tpu.memory_space<vmem_shared>>)
        tpu.yield
      }) : () -> ()
      %add3A_142 = arith.constant 2 : i32
      %add3A_143 = arith.addi %add3A_79, %add3A_142 : i32
      %add3A_144 = arith.constant 5 : i32
      %add3A_145 = arith.addi %add3A_143, %add3A_144 : i32
      %mul3A_146 = arith.constant 40 : i32
      %mul3A_147 = arith.muli %add3A_145, %mul3A_146 : i32
      %dma_start3A_148 = tpu.memref_slice %arg9[%mul3A_147] : memref<10000xi32, #tpu.memory_space<vmem>> -> memref<40xi32, #tpu.memory_space<vmem>>
      %dma_start3A_149 = arith.constant 0 : i32
      %dma_start3A_150 = arith.constant 0 : i32
      %dma_start3A_151 = tpu.memref_slice %arg2[%dma_start3A_149, %dma_start3A_150] : memref<10000x128xf32, #tpu.memory_space<hbm>> -> memref<10000x128xf32, #tpu.memory_space<hbm>>
      tpu.enqueue_indirect_dma source(%dma_start3A_151 : memref<10000x128xf32, #tpu.memory_space<hbm>>) target(%arg13 : memref<40x128xf32, #tpu.memory_space<vmem>>) offsets(%dma_start3A_148 : memref<40xi32, #tpu.memory_space<vmem>>) semaphore(%arg19 : memref<!tpu.dma_semaphore, #tpu.memory_space<semaphore_mem>>)
      %add3A_152 = arith.constant 3 : i32
      %add3A_153 = arith.addi %add3A_79, %add3A_152 : i32
      %mul3A_154 = arith.constant 40 : i32
      %mul3A_155 = arith.muli %add3A_153, %mul3A_154 : i32
      %dma_wait3A_156 = tpu.memref_slice %arg9[%mul3A_155] : memref<10000xi32, #tpu.memory_space<vmem>> -> memref<40xi32, #tpu.memory_space<vmem>>
      %dma_wait3A_157 = arith.constant 0 : i32
      %dma_wait3A_158 = arith.constant 0 : i32
      %dma_wait3A_159 = tpu.memref_slice %arg2[%dma_wait3A_157, %dma_wait3A_158] : memref<10000x128xf32, #tpu.memory_space<hbm>> -> memref<10000x128xf32, #tpu.memory_space<hbm>>
      tpu.wait_indirect_dma semaphore(%arg20 : memref<!tpu.dma_semaphore, #tpu.memory_space<semaphore_mem>>) src(%dma_wait3A_159 : memref<10000x128xf32, #tpu.memory_space<hbm>>) dst(%arg14 : memref<40x128xf32, #tpu.memory_space<vmem>>)
      %add3A_160 = arith.constant 3 : i32
      %add3A_161 = arith.addi %add3A_79, %add3A_160 : i32
      %mul3A_162 = arith.constant 40 : i32
      %mul3A_163 = arith.muli %add3A_161, %mul3A_162 : i32
      "tpu.region"() ({
        %run_scoped3A_200 = tpu.sem_alloc : memref<!tpu.dma_semaphore, #tpu.memory_space<semaphore_mem>>
        %dma_start3A_201 = tpu.memref_slice %arg10[%mul3A_163] : memref<10000xi32, #tpu.memory_space<vmem>> -> memref<40xi32, #tpu.memory_space<vmem>>
        %dma_start3A_202 = arith.constant 0 : i32
        %dma_start3A_203 = arith.constant 0 : i32
        %dma_start3A_204 = tpu.memref_slice %arg16[%dma_start3A_202, %dma_start3A_203] : memref<10000x128xf32, #tpu.memory_space<vmem_shared>> -> memref<10000x128xf32, #tpu.memory_space<vmem_shared>>
        tpu.enqueue_indirect_dma source(%arg14 : memref<40x128xf32, #tpu.memory_space<vmem>>) target(%dma_start3A_204 : memref<10000x128xf32, #tpu.memory_space<vmem_shared>>) offsets(%dma_start3A_201 : memref<40xi32, #tpu.memory_space<vmem>>) semaphore(%run_scoped3A_200 : memref<!tpu.dma_semaphore, #tpu.memory_space<semaphore_mem>>) {add = true}
        %dma_wait3A_205 = tpu.memref_slice %arg10[%mul3A_163] : memref<10000xi32, #tpu.memory_space<vmem>> -> memref<40xi32, #tpu.memory_space<vmem>>
        %dma_wait3A_206 = arith.constant 0 : i32
        %dma_wait3A_207 = arith.constant 0 : i32
        %dma_wait3A_208 = tpu.memref_slice %arg16[%dma_wait3A_206, %dma_wait3A_207] : memref<10000x128xf32, #tpu.memory_space<vmem_shared>> -> memref<10000x128xf32, #tpu.memory_space<vmem_shared>>
        tpu.wait_indirect_dma semaphore(%run_scoped3A_200 : memref<!tpu.dma_semaphore, #tpu.memory_space<semaphore_mem>>) src(%arg14 : memref<40x128xf32, #tpu.memory_space<vmem>>) dst(%dma_wait3A_208 : memref<10000x128xf32, #tpu.memory_space<vmem_shared>>)
        tpu.yield
      }) : () -> ()
      %mul3A_164 = arith.constant 40 : i32
      %mul3A_165 = arith.muli %add3A_161, %mul3A_164 : i32
      "tpu.region"() ({
        %run_scoped3A_200 = tpu.sem_alloc : memref<!tpu.dma_semaphore, #tpu.memory_space<semaphore_mem>>
        %dma_start3A_201 = tpu.memref_slice %arg10[%mul3A_165] : memref<10000xi32, #tpu.memory_space<vmem>> -> memref<40xi32, #tpu.memory_space<vmem>>
        %dma_start3A_202 = arith.constant 0 : i32
        %dma_start3A_203 = arith.constant 0 : i32
        %dma_start3A_204 = tpu.memref_slice %arg23[%dma_start3A_202, %dma_start3A_203] : memref<10000x8xf32, #tpu.memory_space<vmem_shared>> -> memref<10000x8xf32, #tpu.memory_space<vmem_shared>>
        tpu.enqueue_indirect_dma source(%arg22 : memref<40x8xf32, #tpu.memory_space<vmem>>) target(%dma_start3A_204 : memref<10000x8xf32, #tpu.memory_space<vmem_shared>>) offsets(%dma_start3A_201 : memref<40xi32, #tpu.memory_space<vmem>>) semaphore(%run_scoped3A_200 : memref<!tpu.dma_semaphore, #tpu.memory_space<semaphore_mem>>) {add = true}
        %dma_wait3A_205 = tpu.memref_slice %arg10[%mul3A_165] : memref<10000xi32, #tpu.memory_space<vmem>> -> memref<40xi32, #tpu.memory_space<vmem>>
        %dma_wait3A_206 = arith.constant 0 : i32
        %dma_wait3A_207 = arith.constant 0 : i32
        %dma_wait3A_208 = tpu.memref_slice %arg23[%dma_wait3A_206, %dma_wait3A_207] : memref<10000x8xf32, #tpu.memory_space<vmem_shared>> -> memref<10000x8xf32, #tpu.memory_space<vmem_shared>>
        tpu.wait_indirect_dma semaphore(%run_scoped3A_200 : memref<!tpu.dma_semaphore, #tpu.memory_space<semaphore_mem>>) src(%arg22 : memref<40x8xf32, #tpu.memory_space<vmem>>) dst(%dma_wait3A_208 : memref<10000x8xf32, #tpu.memory_space<vmem_shared>>)
        tpu.yield
      }) : () -> ()
      %add3A_166 = arith.constant 3 : i32
      %add3A_167 = arith.addi %add3A_79, %add3A_166 : i32
      %add3A_168 = arith.constant 5 : i32
      %add3A_169 = arith.addi %add3A_167, %add3A_168 : i32
      %mul3A_170 = arith.constant 40 : i32
      %mul3A_171 = arith.muli %add3A_169, %mul3A_170 : i32
      %dma_start3A_172 = tpu.memref_slice %arg9[%mul3A_171] : memref<10000xi32, #tpu.memory_space<vmem>> -> memref<40xi32, #tpu.memory_space<vmem>>
      %dma_start3A_173 = arith.constant 0 : i32
      %dma_start3A_174 = arith.constant 0 : i32
      %dma_start3A_175 = tpu.memref_slice %arg2[%dma_start3A_173, %dma_start3A_174] : memref<10000x128xf32, #tpu.memory_space<hbm>> -> memref<10000x128xf32, #tpu.memory_space<hbm>>
      tpu.enqueue_indirect_dma source(%dma_start3A_175 : memref<10000x128xf32, #tpu.memory_space<hbm>>) target(%arg14 : memref<40x128xf32, #tpu.memory_space<vmem>>) offsets(%dma_start3A_172 : memref<40xi32, #tpu.memory_space<vmem>>) semaphore(%arg20 : memref<!tpu.dma_semaphore, #tpu.memory_space<semaphore_mem>>)
      %add3A_176 = arith.constant 4 : i32
      %add3A_177 = arith.addi %add3A_79, %add3A_176 : i32
      %mul3A_178 = arith.constant 40 : i32
      %mul3A_179 = arith.muli %add3A_177, %mul3A_178 : i32
      %dma_wait3A_180 = tpu.memref_slice %arg9[%mul3A_179] : memref<10000xi32, #tpu.memory_space<vmem>> -> memref<40xi32, #tpu.memory_space<vmem>>
      %dma_wait3A_181 = arith.constant 0 : i32
      %dma_wait3A_182 = arith.constant 0 : i32
      %dma_wait3A_183 = tpu.memref_slice %arg2[%dma_wait3A_181, %dma_wait3A_182] : memref<10000x128xf32, #tpu.memory_space<hbm>> -> memref<10000x128xf32, #tpu.memory_space<hbm>>
      tpu.wait_indirect_dma semaphore(%arg21 : memref<!tpu.dma_semaphore, #tpu.memory_space<semaphore_mem>>) src(%dma_wait3A_183 : memref<10000x128xf32, #tpu.memory_space<hbm>>) dst(%arg15 : memref<40x128xf32, #tpu.memory_space<vmem>>)
      %add3A_184 = arith.constant 4 : i32
      %add3A_185 = arith.addi %add3A_79, %add3A_184 : i32
      %mul3A_186 = arith.constant 40 : i32
      %mul3A_187 = arith.muli %add3A_185, %mul3A_186 : i32
      "tpu.region"() ({
        %run_scoped3A_200 = tpu.sem_alloc : memref<!tpu.dma_semaphore, #tpu.memory_space<semaphore_mem>>
        %dma_start3A_201 = tpu.memref_slice %arg10[%mul3A_187] : memref<10000xi32, #tpu.memory_space<vmem>> -> memref<40xi32, #tpu.memory_space<vmem>>
        %dma_start3A_202 = arith.constant 0 : i32
        %dma_start3A_203 = arith.constant 0 : i32
        %dma_start3A_204 = tpu.memref_slice %arg16[%dma_start3A_202, %dma_start3A_203] : memref<10000x128xf32, #tpu.memory_space<vmem_shared>> -> memref<10000x128xf32, #tpu.memory_space<vmem_shared>>
        tpu.enqueue_indirect_dma source(%arg15 : memref<40x128xf32, #tpu.memory_space<vmem>>) target(%dma_start3A_204 : memref<10000x128xf32, #tpu.memory_space<vmem_shared>>) offsets(%dma_start3A_201 : memref<40xi32, #tpu.memory_space<vmem>>) semaphore(%run_scoped3A_200 : memref<!tpu.dma_semaphore, #tpu.memory_space<semaphore_mem>>) {add = true}
        %dma_wait3A_205 = tpu.memref_slice %arg10[%mul3A_187] : memref<10000xi32, #tpu.memory_space<vmem>> -> memref<40xi32, #tpu.memory_space<vmem>>
        %dma_wait3A_206 = arith.constant 0 : i32
        %dma_wait3A_207 = arith.constant 0 : i32
        %dma_wait3A_208 = tpu.memref_slice %arg16[%dma_wait3A_206, %dma_wait3A_207] : memref<10000x128xf32, #tpu.memory_space<vmem_shared>> -> memref<10000x128xf32, #tpu.memory_space<vmem_shared>>
        tpu.wait_indirect_dma semaphore(%run_scoped3A_200 : memref<!tpu.dma_semaphore, #tpu.memory_space<semaphore_mem>>) src(%arg15 : memref<40x128xf32, #tpu.memory_space<vmem>>) dst(%dma_wait3A_208 : memref<10000x128xf32, #tpu.memory_space<vmem_shared>>)
        tpu.yield
      }) : () -> ()
      %mul3A_188 = arith.constant 40 : i32
      %mul3A_189 = arith.muli %add3A_185, %mul3A_188 : i32
      "tpu.region"() ({
        %run_scoped3A_200 = tpu.sem_alloc : memref<!tpu.dma_semaphore, #tpu.memory_space<semaphore_mem>>
        %dma_start3A_201 = tpu.memref_slice %arg10[%mul3A_189] : memref<10000xi32, #tpu.memory_space<vmem>> -> memref<40xi32, #tpu.memory_space<vmem>>
        %dma_start3A_202 = arith.constant 0 : i32
        %dma_start3A_203 = arith.constant 0 : i32
        %dma_start3A_204 = tpu.memref_slice %arg23[%dma_start3A_202, %dma_start3A_203] : memref<10000x8xf32, #tpu.memory_space<vmem_shared>> -> memref<10000x8xf32, #tpu.memory_space<vmem_shared>>
        tpu.enqueue_indirect_dma source(%arg22 : memref<40x8xf32, #tpu.memory_space<vmem>>) target(%dma_start3A_204 : memref<10000x8xf32, #tpu.memory_space<vmem_shared>>) offsets(%dma_start3A_201 : memref<40xi32, #tpu.memory_space<vmem>>) semaphore(%run_scoped3A_200 : memref<!tpu.dma_semaphore, #tpu.memory_space<semaphore_mem>>) {add = true}
        %dma_wait3A_205 = tpu.memref_slice %arg10[%mul3A_189] : memref<10000xi32, #tpu.memory_space<vmem>> -> memref<40xi32, #tpu.memory_space<vmem>>
        %dma_wait3A_206 = arith.constant 0 : i32
        %dma_wait3A_207 = arith.constant 0 : i32
        %dma_wait3A_208 = tpu.memref_slice %arg23[%dma_wait3A_206, %dma_wait3A_207] : memref<10000x8xf32, #tpu.memory_space<vmem_shared>> -> memref<10000x8xf32, #tpu.memory_space<vmem_shared>>
        tpu.wait_indirect_dma semaphore(%run_scoped3A_200 : memref<!tpu.dma_semaphore, #tpu.memory_space<semaphore_mem>>) src(%arg22 : memref<40x8xf32, #tpu.memory_space<vmem>>) dst(%dma_wait3A_208 : memref<10000x8xf32, #tpu.memory_space<vmem_shared>>)
        tpu.yield
      }) : () -> ()
      %add3A_190 = arith.constant 4 : i32
      %add3A_191 = arith.addi %add3A_79, %add3A_190 : i32
      %add3A_192 = arith.constant 5 : i32
      %add3A_193 = arith.addi %add3A_191, %add3A_192 : i32
      %mul3A_194 = arith.constant 40 : i32
      %mul3A_195 = arith.muli %add3A_193, %mul3A_194 : i32
      %dma_start3A_196 = tpu.memref_slice %arg9[%mul3A_195] : memref<10000xi32, #tpu.memory_space<vmem>> -> memref<40xi32, #tpu.memory_space<vmem>>
      %dma_start3A_197 = arith.constant 0 : i32
      %dma_start3A_198 = arith.constant 0 : i32
      %dma_start3A_199 = tpu.memref_slice %arg2[%dma_start3A_197, %dma_start3A_198] : memref<10000x128xf32, #tpu.memory_space<hbm>> -> memref<10000x128xf32, #tpu.memory_space<hbm>>
      tpu.enqueue_indirect_dma source(%dma_start3A_199 : memref<10000x128xf32, #tpu.memory_space<hbm>>) target(%arg15 : memref<40x128xf32, #tpu.memory_space<vmem>>) offsets(%dma_start3A_196 : memref<40xi32, #tpu.memory_space<vmem>>) semaphore(%arg21 : memref<!tpu.dma_semaphore, #tpu.memory_space<semaphore_mem>>)
    }
    %scan3A_41 = arith.constant 49 : i32
    %dma_wait3A = arith.constant 9800 : i32
    %dma_wait3A_42 = tpu.memref_slice %arg9[%dma_wait3A] : memref<10000xi32, #tpu.memory_space<vmem>> -> memref<40xi32, #tpu.memory_space<vmem>>
    %dma_wait3A_43 = arith.constant 0 : i32
    %dma_wait3A_44 = arith.constant 0 : i32
    %dma_wait3A_45 = tpu.memref_slice %arg2[%dma_wait3A_43, %dma_wait3A_44] : memref<10000x128xf32, #tpu.memory_space<hbm>> -> memref<10000x128xf32, #tpu.memory_space<hbm>>
    tpu.wait_indirect_dma semaphore(%arg17 : memref<!tpu.dma_semaphore, #tpu.memory_space<semaphore_mem>>) src(%dma_wait3A_45 : memref<10000x128xf32, #tpu.memory_space<hbm>>) dst(%arg11 : memref<40x128xf32, #tpu.memory_space<vmem>>)
    "tpu.region"() ({
      %run_scoped3A_75 = tpu.sem_alloc : memref<!tpu.dma_semaphore, #tpu.memory_space<semaphore_mem>>
      %dma_start3A_76 = arith.constant 9800 : i32
      %dma_start3A_77 = tpu.memref_slice %arg10[%dma_start3A_76] : memref<10000xi32, #tpu.memory_space<vmem>> -> memref<40xi32, #tpu.memory_space<vmem>>
      %dma_start3A_78 = arith.constant 0 : i32
      %dma_start3A_79 = arith.constant 0 : i32
      %dma_start3A_80 = tpu.memref_slice %arg16[%dma_start3A_78, %dma_start3A_79] : memref<10000x128xf32, #tpu.memory_space<vmem_shared>> -> memref<10000x128xf32, #tpu.memory_space<vmem_shared>>
      tpu.enqueue_indirect_dma source(%arg11 : memref<40x128xf32, #tpu.memory_space<vmem>>) target(%dma_start3A_80 : memref<10000x128xf32, #tpu.memory_space<vmem_shared>>) offsets(%dma_start3A_77 : memref<40xi32, #tpu.memory_space<vmem>>) semaphore(%run_scoped3A_75 : memref<!tpu.dma_semaphore, #tpu.memory_space<semaphore_mem>>) {add = true}
      %dma_wait3A_81 = arith.constant 9800 : i32
      %dma_wait3A_82 = tpu.memref_slice %arg10[%dma_wait3A_81] : memref<10000xi32, #tpu.memory_space<vmem>> -> memref<40xi32, #tpu.memory_space<vmem>>
      %dma_wait3A_83 = arith.constant 0 : i32
      %dma_wait3A_84 = arith.constant 0 : i32
      %dma_wait3A_85 = tpu.memref_slice %arg16[%dma_wait3A_83, %dma_wait3A_84] : memref<10000x128xf32, #tpu.memory_space<vmem_shared>> -> memref<10000x128xf32, #tpu.memory_space<vmem_shared>>
      tpu.wait_indirect_dma semaphore(%run_scoped3A_75 : memref<!tpu.dma_semaphore, #tpu.memory_space<semaphore_mem>>) src(%arg11 : memref<40x128xf32, #tpu.memory_space<vmem>>) dst(%dma_wait3A_85 : memref<10000x128xf32, #tpu.memory_space<vmem_shared>>)
      tpu.yield
    }) : () -> ()
    "tpu.region"() ({
      %run_scoped3A_75 = tpu.sem_alloc : memref<!tpu.dma_semaphore, #tpu.memory_space<semaphore_mem>>
      %dma_start3A_76 = arith.constant 9800 : i32
      %dma_start3A_77 = tpu.memref_slice %arg10[%dma_start3A_76] : memref<10000xi32, #tpu.memory_space<vmem>> -> memref<40xi32, #tpu.memory_space<vmem>>
      %dma_start3A_78 = arith.constant 0 : i32
      %dma_start3A_79 = arith.constant 0 : i32
      %dma_start3A_80 = tpu.memref_slice %arg23[%dma_start3A_78, %dma_start3A_79] : memref<10000x8xf32, #tpu.memory_space<vmem_shared>> -> memref<10000x8xf32, #tpu.memory_space<vmem_shared>>
      tpu.enqueue_indirect_dma source(%arg22 : memref<40x8xf32, #tpu.memory_space<vmem>>) target(%dma_start3A_80 : memref<10000x8xf32, #tpu.memory_space<vmem_shared>>) offsets(%dma_start3A_77 : memref<40xi32, #tpu.memory_space<vmem>>) semaphore(%run_scoped3A_75 : memref<!tpu.dma_semaphore, #tpu.memory_space<semaphore_mem>>) {add = true}
      %dma_wait3A_81 = arith.constant 9800 : i32
      %dma_wait3A_82 = tpu.memref_slice %arg10[%dma_wait3A_81] : memref<10000xi32, #tpu.memory_space<vmem>> -> memref<40xi32, #tpu.memory_space<vmem>>
      %dma_wait3A_83 = arith.constant 0 : i32
      %dma_wait3A_84 = arith.constant 0 : i32
      %dma_wait3A_85 = tpu.memref_slice %arg23[%dma_wait3A_83, %dma_wait3A_84] : memref<10000x8xf32, #tpu.memory_space<vmem_shared>> -> memref<10000x8xf32, #tpu.memory_space<vmem_shared>>
      tpu.wait_indirect_dma semaphore(%run_scoped3A_75 : memref<!tpu.dma_semaphore, #tpu.memory_space<semaphore_mem>>) src(%arg22 : memref<40x8xf32, #tpu.memory_space<vmem>>) dst(%dma_wait3A_85 : memref<10000x8xf32, #tpu.memory_space<vmem_shared>>)
      tpu.yield
    }) : () -> ()
    %dma_wait3A_46 = arith.constant 9840 : i32
    %dma_wait3A_47 = tpu.memref_slice %arg9[%dma_wait3A_46] : memref<10000xi32, #tpu.memory_space<vmem>> -> memref<40xi32, #tpu.memory_space<vmem>>
    %dma_wait3A_48 = arith.constant 0 : i32
    %dma_wait3A_49 = arith.constant 0 : i32
    %dma_wait3A_50 = tpu.memref_slice %arg2[%dma_wait3A_48, %dma_wait3A_49] : memref<10000x128xf32, #tpu.memory_space<hbm>> -> memref<10000x128xf32, #tpu.memory_space<hbm>>
    tpu.wait_indirect_dma semaphore(%arg18 : memref<!tpu.dma_semaphore, #tpu.memory_space<semaphore_mem>>) src(%dma_wait3A_50 : memref<10000x128xf32, #tpu.memory_space<hbm>>) dst(%arg12 : memref<40x128xf32, #tpu.memory_space<vmem>>)
    "tpu.region"() ({
      %run_scoped3A_75 = tpu.sem_alloc : memref<!tpu.dma_semaphore, #tpu.memory_space<semaphore_mem>>
      %dma_start3A_76 = arith.constant 9840 : i32
      %dma_start3A_77 = tpu.memref_slice %arg10[%dma_start3A_76] : memref<10000xi32, #tpu.memory_space<vmem>> -> memref<40xi32, #tpu.memory_space<vmem>>
      %dma_start3A_78 = arith.constant 0 : i32
      %dma_start3A_79 = arith.constant 0 : i32
      %dma_start3A_80 = tpu.memref_slice %arg16[%dma_start3A_78, %dma_start3A_79] : memref<10000x128xf32, #tpu.memory_space<vmem_shared>> -> memref<10000x128xf32, #tpu.memory_space<vmem_shared>>
      tpu.enqueue_indirect_dma source(%arg12 : memref<40x128xf32, #tpu.memory_space<vmem>>) target(%dma_start3A_80 : memref<10000x128xf32, #tpu.memory_space<vmem_shared>>) offsets(%dma_start3A_77 : memref<40xi32, #tpu.memory_space<vmem>>) semaphore(%run_scoped3A_75 : memref<!tpu.dma_semaphore, #tpu.memory_space<semaphore_mem>>) {add = true}
      %dma_wait3A_81 = arith.constant 9840 : i32
      %dma_wait3A_82 = tpu.memref_slice %arg10[%dma_wait3A_81] : memref<10000xi32, #tpu.memory_space<vmem>> -> memref<40xi32, #tpu.memory_space<vmem>>
      %dma_wait3A_83 = arith.constant 0 : i32
      %dma_wait3A_84 = arith.constant 0 : i32
      %dma_wait3A_85 = tpu.memref_slice %arg16[%dma_wait3A_83, %dma_wait3A_84] : memref<10000x128xf32, #tpu.memory_space<vmem_shared>> -> memref<10000x128xf32, #tpu.memory_space<vmem_shared>>
      tpu.wait_indirect_dma semaphore(%run_scoped3A_75 : memref<!tpu.dma_semaphore, #tpu.memory_space<semaphore_mem>>) src(%arg12 : memref<40x128xf32, #tpu.memory_space<vmem>>) dst(%dma_wait3A_85 : memref<10000x128xf32, #tpu.memory_space<vmem_shared>>)
      tpu.yield
    }) : () -> ()
    "tpu.region"() ({
      %run_scoped3A_75 = tpu.sem_alloc : memref<!tpu.dma_semaphore, #tpu.memory_space<semaphore_mem>>
      %dma_start3A_76 = arith.constant 9840 : i32
      %dma_start3A_77 = tpu.memref_slice %arg10[%dma_start3A_76] : memref<10000xi32, #tpu.memory_space<vmem>> -> memref<40xi32, #tpu.memory_space<vmem>>
      %dma_start3A_78 = arith.constant 0 : i32
      %dma_start3A_79 = arith.constant 0 : i32
      %dma_start3A_80 = tpu.memref_slice %arg23[%dma_start3A_78, %dma_start3A_79] : memref<10000x8xf32, #tpu.memory_space<vmem_shared>> -> memref<10000x8xf32, #tpu.memory_space<vmem_shared>>
      tpu.enqueue_indirect_dma source(%arg22 : memref<40x8xf32, #tpu.memory_space<vmem>>) target(%dma_start3A_80 : memref<10000x8xf32, #tpu.memory_space<vmem_shared>>) offsets(%dma_start3A_77 : memref<40xi32, #tpu.memory_space<vmem>>) semaphore(%run_scoped3A_75 : memref<!tpu.dma_semaphore, #tpu.memory_space<semaphore_mem>>) {add = true}
      %dma_wait3A_81 = arith.constant 9840 : i32
      %dma_wait3A_82 = tpu.memref_slice %arg10[%dma_wait3A_81] : memref<10000xi32, #tpu.memory_space<vmem>> -> memref<40xi32, #tpu.memory_space<vmem>>
      %dma_wait3A_83 = arith.constant 0 : i32
      %dma_wait3A_84 = arith.constant 0 : i32
      %dma_wait3A_85 = tpu.memref_slice %arg23[%dma_wait3A_83, %dma_wait3A_84] : memref<10000x8xf32, #tpu.memory_space<vmem_shared>> -> memref<10000x8xf32, #tpu.memory_space<vmem_shared>>
      tpu.wait_indirect_dma semaphore(%run_scoped3A_75 : memref<!tpu.dma_semaphore, #tpu.memory_space<semaphore_mem>>) src(%arg22 : memref<40x8xf32, #tpu.memory_space<vmem>>) dst(%dma_wait3A_85 : memref<10000x8xf32, #tpu.memory_space<vmem_shared>>)
      tpu.yield
    }) : () -> ()
    %dma_wait3A_51 = arith.constant 9880 : i32
    %dma_wait3A_52 = tpu.memref_slice %arg9[%dma_wait3A_51] : memref<10000xi32, #tpu.memory_space<vmem>> -> memref<40xi32, #tpu.memory_space<vmem>>
    %dma_wait3A_53 = arith.constant 0 : i32
    %dma_wait3A_54 = arith.constant 0 : i32
    %dma_wait3A_55 = tpu.memref_slice %arg2[%dma_wait3A_53, %dma_wait3A_54] : memref<10000x128xf32, #tpu.memory_space<hbm>> -> memref<10000x128xf32, #tpu.memory_space<hbm>>
    tpu.wait_indirect_dma semaphore(%arg19 : memref<!tpu.dma_semaphore, #tpu.memory_space<semaphore_mem>>) src(%dma_wait3A_55 : memref<10000x128xf32, #tpu.memory_space<hbm>>) dst(%arg13 : memref<40x128xf32, #tpu.memory_space<vmem>>)
    "tpu.region"() ({
      %run_scoped3A_75 = tpu.sem_alloc : memref<!tpu.dma_semaphore, #tpu.memory_space<semaphore_mem>>
      %dma_start3A_76 = arith.constant 9880 : i32
      %dma_start3A_77 = tpu.memref_slice %arg10[%dma_start3A_76] : memref<10000xi32, #tpu.memory_space<vmem>> -> memref<40xi32, #tpu.memory_space<vmem>>
      %dma_start3A_78 = arith.constant 0 : i32
      %dma_start3A_79 = arith.constant 0 : i32
      %dma_start3A_80 = tpu.memref_slice %arg16[%dma_start3A_78, %dma_start3A_79] : memref<10000x128xf32, #tpu.memory_space<vmem_shared>> -> memref<10000x128xf32, #tpu.memory_space<vmem_shared>>
      tpu.enqueue_indirect_dma source(%arg13 : memref<40x128xf32, #tpu.memory_space<vmem>>) target(%dma_start3A_80 : memref<10000x128xf32, #tpu.memory_space<vmem_shared>>) offsets(%dma_start3A_77 : memref<40xi32, #tpu.memory_space<vmem>>) semaphore(%run_scoped3A_75 : memref<!tpu.dma_semaphore, #tpu.memory_space<semaphore_mem>>) {add = true}
      %dma_wait3A_81 = arith.constant 9880 : i32
      %dma_wait3A_82 = tpu.memref_slice %arg10[%dma_wait3A_81] : memref<10000xi32, #tpu.memory_space<vmem>> -> memref<40xi32, #tpu.memory_space<vmem>>
      %dma_wait3A_83 = arith.constant 0 : i32
      %dma_wait3A_84 = arith.constant 0 : i32
      %dma_wait3A_85 = tpu.memref_slice %arg16[%dma_wait3A_83, %dma_wait3A_84] : memref<10000x128xf32, #tpu.memory_space<vmem_shared>> -> memref<10000x128xf32, #tpu.memory_space<vmem_shared>>
      tpu.wait_indirect_dma semaphore(%run_scoped3A_75 : memref<!tpu.dma_semaphore, #tpu.memory_space<semaphore_mem>>) src(%arg13 : memref<40x128xf32, #tpu.memory_space<vmem>>) dst(%dma_wait3A_85 : memref<10000x128xf32, #tpu.memory_space<vmem_shared>>)
      tpu.yield
    }) : () -> ()
    "tpu.region"() ({
      %run_scoped3A_75 = tpu.sem_alloc : memref<!tpu.dma_semaphore, #tpu.memory_space<semaphore_mem>>
      %dma_start3A_76 = arith.constant 9880 : i32
      %dma_start3A_77 = tpu.memref_slice %arg10[%dma_start3A_76] : memref<10000xi32, #tpu.memory_space<vmem>> -> memref<40xi32, #tpu.memory_space<vmem>>
      %dma_start3A_78 = arith.constant 0 : i32
      %dma_start3A_79 = arith.constant 0 : i32
      %dma_start3A_80 = tpu.memref_slice %arg23[%dma_start3A_78, %dma_start3A_79] : memref<10000x8xf32, #tpu.memory_space<vmem_shared>> -> memref<10000x8xf32, #tpu.memory_space<vmem_shared>>
      tpu.enqueue_indirect_dma source(%arg22 : memref<40x8xf32, #tpu.memory_space<vmem>>) target(%dma_start3A_80 : memref<10000x8xf32, #tpu.memory_space<vmem_shared>>) offsets(%dma_start3A_77 : memref<40xi32, #tpu.memory_space<vmem>>) semaphore(%run_scoped3A_75 : memref<!tpu.dma_semaphore, #tpu.memory_space<semaphore_mem>>) {add = true}
      %dma_wait3A_81 = arith.constant 9880 : i32
      %dma_wait3A_82 = tpu.memref_slice %arg10[%dma_wait3A_81] : memref<10000xi32, #tpu.memory_space<vmem>> -> memref<40xi32, #tpu.memory_space<vmem>>
      %dma_wait3A_83 = arith.constant 0 : i32
      %dma_wait3A_84 = arith.constant 0 : i32
      %dma_wait3A_85 = tpu.memref_slice %arg23[%dma_wait3A_83, %dma_wait3A_84] : memref<10000x8xf32, #tpu.memory_space<vmem_shared>> -> memref<10000x8xf32, #tpu.memory_space<vmem_shared>>
      tpu.wait_indirect_dma semaphore(%run_scoped3A_75 : memref<!tpu.dma_semaphore, #tpu.memory_space<semaphore_mem>>) src(%arg22 : memref<40x8xf32, #tpu.memory_space<vmem>>) dst(%dma_wait3A_85 : memref<10000x8xf32, #tpu.memory_space<vmem_shared>>)
      tpu.yield
    }) : () -> ()
    %dma_wait3A_56 = arith.constant 9920 : i32
    %dma_wait3A_57 = tpu.memref_slice %arg9[%dma_wait3A_56] : memref<10000xi32, #tpu.memory_space<vmem>> -> memref<40xi32, #tpu.memory_space<vmem>>
    %dma_wait3A_58 = arith.constant 0 : i32
    %dma_wait3A_59 = arith.constant 0 : i32
    %dma_wait3A_60 = tpu.memref_slice %arg2[%dma_wait3A_58, %dma_wait3A_59] : memref<10000x128xf32, #tpu.memory_space<hbm>> -> memref<10000x128xf32, #tpu.memory_space<hbm>>
    tpu.wait_indirect_dma semaphore(%arg20 : memref<!tpu.dma_semaphore, #tpu.memory_space<semaphore_mem>>) src(%dma_wait3A_60 : memref<10000x128xf32, #tpu.memory_space<hbm>>) dst(%arg14 : memref<40x128xf32, #tpu.memory_space<vmem>>)
    "tpu.region"() ({
      %run_scoped3A_75 = tpu.sem_alloc : memref<!tpu.dma_semaphore, #tpu.memory_space<semaphore_mem>>
      %dma_start3A_76 = arith.constant 9920 : i32
      %dma_start3A_77 = tpu.memref_slice %arg10[%dma_start3A_76] : memref<10000xi32, #tpu.memory_space<vmem>> -> memref<40xi32, #tpu.memory_space<vmem>>
      %dma_start3A_78 = arith.constant 0 : i32
      %dma_start3A_79 = arith.constant 0 : i32
      %dma_start3A_80 = tpu.memref_slice %arg16[%dma_start3A_78, %dma_start3A_79] : memref<10000x128xf32, #tpu.memory_space<vmem_shared>> -> memref<10000x128xf32, #tpu.memory_space<vmem_shared>>
      tpu.enqueue_indirect_dma source(%arg14 : memref<40x128xf32, #tpu.memory_space<vmem>>) target(%dma_start3A_80 : memref<10000x128xf32, #tpu.memory_space<vmem_shared>>) offsets(%dma_start3A_77 : memref<40xi32, #tpu.memory_space<vmem>>) semaphore(%run_scoped3A_75 : memref<!tpu.dma_semaphore, #tpu.memory_space<semaphore_mem>>) {add = true}
      %dma_wait3A_81 = arith.constant 9920 : i32
      %dma_wait3A_82 = tpu.memref_slice %arg10[%dma_wait3A_81] : memref<10000xi32, #tpu.memory_space<vmem>> -> memref<40xi32, #tpu.memory_space<vmem>>
      %dma_wait3A_83 = arith.constant 0 : i32
      %dma_wait3A_84 = arith.constant 0 : i32
      %dma_wait3A_85 = tpu.memref_slice %arg16[%dma_wait3A_83, %dma_wait3A_84] : memref<10000x128xf32, #tpu.memory_space<vmem_shared>> -> memref<10000x128xf32, #tpu.memory_space<vmem_shared>>
      tpu.wait_indirect_dma semaphore(%run_scoped3A_75 : memref<!tpu.dma_semaphore, #tpu.memory_space<semaphore_mem>>) src(%arg14 : memref<40x128xf32, #tpu.memory_space<vmem>>) dst(%dma_wait3A_85 : memref<10000x128xf32, #tpu.memory_space<vmem_shared>>)
      tpu.yield
    }) : () -> ()
    "tpu.region"() ({
      %run_scoped3A_75 = tpu.sem_alloc : memref<!tpu.dma_semaphore, #tpu.memory_space<semaphore_mem>>
      %dma_start3A_76 = arith.constant 9920 : i32
      %dma_start3A_77 = tpu.memref_slice %arg10[%dma_start3A_76] : memref<10000xi32, #tpu.memory_space<vmem>> -> memref<40xi32, #tpu.memory_space<vmem>>
      %dma_start3A_78 = arith.constant 0 : i32
      %dma_start3A_79 = arith.constant 0 : i32
      %dma_start3A_80 = tpu.memref_slice %arg23[%dma_start3A_78, %dma_start3A_79] : memref<10000x8xf32, #tpu.memory_space<vmem_shared>> -> memref<10000x8xf32, #tpu.memory_space<vmem_shared>>
      tpu.enqueue_indirect_dma source(%arg22 : memref<40x8xf32, #tpu.memory_space<vmem>>) target(%dma_start3A_80 : memref<10000x8xf32, #tpu.memory_space<vmem_shared>>) offsets(%dma_start3A_77 : memref<40xi32, #tpu.memory_space<vmem>>) semaphore(%run_scoped3A_75 : memref<!tpu.dma_semaphore, #tpu.memory_space<semaphore_mem>>) {add = true}
      %dma_wait3A_81 = arith.constant 9920 : i32
      %dma_wait3A_82 = tpu.memref_slice %arg10[%dma_wait3A_81] : memref<10000xi32, #tpu.memory_space<vmem>> -> memref<40xi32, #tpu.memory_space<vmem>>
      %dma_wait3A_83 = arith.constant 0 : i32
      %dma_wait3A_84 = arith.constant 0 : i32
      %dma_wait3A_85 = tpu.memref_slice %arg23[%dma_wait3A_83, %dma_wait3A_84] : memref<10000x8xf32, #tpu.memory_space<vmem_shared>> -> memref<10000x8xf32, #tpu.memory_space<vmem_shared>>
      tpu.wait_indirect_dma semaphore(%run_scoped3A_75 : memref<!tpu.dma_semaphore, #tpu.memory_space<semaphore_mem>>) src(%arg22 : memref<40x8xf32, #tpu.memory_space<vmem>>) dst(%dma_wait3A_85 : memref<10000x8xf32, #tpu.memory_space<vmem_shared>>)
      tpu.yield
    }) : () -> ()
    %dma_wait3A_61 = arith.constant 9960 : i32
    %dma_wait3A_62 = tpu.memref_slice %arg9[%dma_wait3A_61] : memref<10000xi32, #tpu.memory_space<vmem>> -> memref<40xi32, #tpu.memory_space<vmem>>
    %dma_wait3A_63 = arith.constant 0 : i32
    %dma_wait3A_64 = arith.constant 0 : i32
    %dma_wait3A_65 = tpu.memref_slice %arg2[%dma_wait3A_63, %dma_wait3A_64] : memref<10000x128xf32, #tpu.memory_space<hbm>> -> memref<10000x128xf32, #tpu.memory_space<hbm>>
    tpu.wait_indirect_dma semaphore(%arg21 : memref<!tpu.dma_semaphore, #tpu.memory_space<semaphore_mem>>) src(%dma_wait3A_65 : memref<10000x128xf32, #tpu.memory_space<hbm>>) dst(%arg15 : memref<40x128xf32, #tpu.memory_space<vmem>>)
    "tpu.region"() ({
      %run_scoped3A_75 = tpu.sem_alloc : memref<!tpu.dma_semaphore, #tpu.memory_space<semaphore_mem>>
      %dma_start3A_76 = arith.constant 9960 : i32
      %dma_start3A_77 = tpu.memref_slice %arg10[%dma_start3A_76] : memref<10000xi32, #tpu.memory_space<vmem>> -> memref<40xi32, #tpu.memory_space<vmem>>
      %dma_start3A_78 = arith.constant 0 : i32
      %dma_start3A_79 = arith.constant 0 : i32
      %dma_start3A_80 = tpu.memref_slice %arg16[%dma_start3A_78, %dma_start3A_79] : memref<10000x128xf32, #tpu.memory_space<vmem_shared>> -> memref<10000x128xf32, #tpu.memory_space<vmem_shared>>
      tpu.enqueue_indirect_dma source(%arg15 : memref<40x128xf32, #tpu.memory_space<vmem>>) target(%dma_start3A_80 : memref<10000x128xf32, #tpu.memory_space<vmem_shared>>) offsets(%dma_start3A_77 : memref<40xi32, #tpu.memory_space<vmem>>) semaphore(%run_scoped3A_75 : memref<!tpu.dma_semaphore, #tpu.memory_space<semaphore_mem>>) {add = true}
      %dma_wait3A_81 = arith.constant 9960 : i32
      %dma_wait3A_82 = tpu.memref_slice %arg10[%dma_wait3A_81] : memref<10000xi32, #tpu.memory_space<vmem>> -> memref<40xi32, #tpu.memory_space<vmem>>
      %dma_wait3A_83 = arith.constant 0 : i32
      %dma_wait3A_84 = arith.constant 0 : i32
      %dma_wait3A_85 = tpu.memref_slice %arg16[%dma_wait3A_83, %dma_wait3A_84] : memref<10000x128xf32, #tpu.memory_space<vmem_shared>> -> memref<10000x128xf32, #tpu.memory_space<vmem_shared>>
      tpu.wait_indirect_dma semaphore(%run_scoped3A_75 : memref<!tpu.dma_semaphore, #tpu.memory_space<semaphore_mem>>) src(%arg15 : memref<40x128xf32, #tpu.memory_space<vmem>>) dst(%dma_wait3A_85 : memref<10000x128xf32, #tpu.memory_space<vmem_shared>>)
      tpu.yield
    }) : () -> ()
    "tpu.region"() ({
      %run_scoped3A_75 = tpu.sem_alloc : memref<!tpu.dma_semaphore, #tpu.memory_space<semaphore_mem>>
      %dma_start3A_76 = arith.constant 9960 : i32
      %dma_start3A_77 = tpu.memref_slice %arg10[%dma_start3A_76] : memref<10000xi32, #tpu.memory_space<vmem>> -> memref<40xi32, #tpu.memory_space<vmem>>
      %dma_start3A_78 = arith.constant 0 : i32
      %dma_start3A_79 = arith.constant 0 : i32
      %dma_start3A_80 = tpu.memref_slice %arg23[%dma_start3A_78, %dma_start3A_79] : memref<10000x8xf32, #tpu.memory_space<vmem_shared>> -> memref<10000x8xf32, #tpu.memory_space<vmem_shared>>
      tpu.enqueue_indirect_dma source(%arg22 : memref<40x8xf32, #tpu.memory_space<vmem>>) target(%dma_start3A_80 : memref<10000x8xf32, #tpu.memory_space<vmem_shared>>) offsets(%dma_start3A_77 : memref<40xi32, #tpu.memory_space<vmem>>) semaphore(%run_scoped3A_75 : memref<!tpu.dma_semaphore, #tpu.memory_space<semaphore_mem>>) {add = true}
      %dma_wait3A_81 = arith.constant 9960 : i32
      %dma_wait3A_82 = tpu.memref_slice %arg10[%dma_wait3A_81] : memref<10000xi32, #tpu.memory_space<vmem>> -> memref<40xi32, #tpu.memory_space<vmem>>
      %dma_wait3A_83 = arith.constant 0 : i32
      %dma_wait3A_84 = arith.constant 0 : i32
      %dma_wait3A_85 = tpu.memref_slice %arg23[%dma_wait3A_83, %dma_wait3A_84] : memref<10000x8xf32, #tpu.memory_space<vmem_shared>> -> memref<10000x8xf32, #tpu.memory_space<vmem_shared>>
      tpu.wait_indirect_dma semaphore(%run_scoped3A_75 : memref<!tpu.dma_semaphore, #tpu.memory_space<semaphore_mem>>) src(%arg22 : memref<40x8xf32, #tpu.memory_space<vmem>>) dst(%dma_wait3A_85 : memref<10000x8xf32, #tpu.memory_space<vmem_shared>>)
      tpu.yield
    }) : () -> ()
    %barrier3A_66 = arith.constant 0 : index
    tpu.barrier barrier_id(%barrier3A_66)
    %mul3A_67 = arith.constant 624 : i32
    %mul3A_68 = arith.muli %arg1, %mul3A_67 : i32
    %mul3A_69 = arith.constant 624 : i32
    %mul3A_70 = arith.muli %arg1, %mul3A_69 : i32
    "tpu.region"() ({
      %run_scoped3A_75 = tpu.sem_alloc : memref<!tpu.dma_semaphore, #tpu.memory_space<semaphore_mem>>
      %dma_start3A_76 = arith.constant 0 : i32
      %dma_start3A_77 = tpu.memref_slice %arg7[%arg0, %mul3A_70, %dma_start3A_76] : memref<2x10000x128xf32, #tpu.memory_space<hbm>> -> memref<1x640x128xf32, #tpu.memory_space<hbm>>
      %dma_start3A_78 = tpu.memref_squeeze %dma_start3A_77 : memref<1x640x128xf32, #tpu.memory_space<hbm>> -> memref<640x128xf32, #tpu.memory_space<hbm>>
      %dma_start3A_79 = arith.constant 0 : i32
      %dma_start3A_80 = tpu.memref_slice %arg16[%mul3A_68, %dma_start3A_79] : memref<10000x128xf32, #tpu.memory_space<vmem_shared>> -> memref<640x128xf32, #tpu.memory_space<vmem_shared>>
      tpu.enqueue_dma source(%dma_start3A_80 : memref<640x128xf32, #tpu.memory_space<vmem_shared>>) target(%dma_start3A_78 : memref<640x128xf32, #tpu.memory_space<hbm>>) target_semaphore(%run_scoped3A_75 : memref<!tpu.dma_semaphore, #tpu.memory_space<semaphore_mem>>)
      %dma_wait3A_81 = arith.constant 0 : i32
      %dma_wait3A_82 = tpu.memref_slice %arg7[%arg0, %mul3A_70, %dma_wait3A_81] : memref<2x10000x128xf32, #tpu.memory_space<hbm>> -> memref<1x640x128xf32, #tpu.memory_space<hbm>>
      %dma_wait3A_83 = tpu.memref_squeeze %dma_wait3A_82 : memref<1x640x128xf32, #tpu.memory_space<hbm>> -> memref<640x128xf32, #tpu.memory_space<hbm>>
      %dma_wait3A_84 = arith.constant 0 : i32
      %dma_wait3A_85 = tpu.memref_slice %arg16[%mul3A_68, %dma_wait3A_84] : memref<10000x128xf32, #tpu.memory_space<vmem_shared>> -> memref<640x128xf32, #tpu.memory_space<vmem_shared>>
      tpu.wait_dma2 semaphore(%run_scoped3A_75 : memref<!tpu.dma_semaphore, #tpu.memory_space<semaphore_mem>>) src(%dma_wait3A_85 : memref<640x128xf32, #tpu.memory_space<vmem_shared>>) dst(%dma_wait3A_83 : memref<640x128xf32, #tpu.memory_space<hbm>>)
      tpu.yield
    }) : () -> ()
    %mul3A_71 = arith.constant 624 : i32
    %mul3A_72 = arith.muli %arg1, %mul3A_71 : i32
    %mul3A_73 = arith.constant 624 : i32
    %mul3A_74 = arith.muli %arg1, %mul3A_73 : i32
    "tpu.region"() ({
      %run_scoped3A_75 = tpu.sem_alloc : memref<!tpu.dma_semaphore, #tpu.memory_space<semaphore_mem>>
      %dma_start3A_76 = arith.constant 0 : i32
      %dma_start3A_77 = tpu.memref_slice %arg8[%arg0, %mul3A_74, %dma_start3A_76] : memref<2x10000x8xf32, #tpu.memory_space<hbm>> -> memref<1x640x8xf32, #tpu.memory_space<hbm>>
      %dma_start3A_78 = tpu.memref_squeeze %dma_start3A_77 : memref<1x640x8xf32, #tpu.memory_space<hbm>> -> memref<640x8xf32, #tpu.memory_space<hbm>>
      %dma_start3A_79 = arith.constant 0 : i32
      %dma_start3A_80 = tpu.memref_slice %arg23[%mul3A_72, %dma_start3A_79] : memref<10000x8xf32, #tpu.memory_space<vmem_shared>> -> memref<640x8xf32, #tpu.memory_space<vmem_shared>>
      tpu.enqueue_dma source(%dma_start3A_80 : memref<640x8xf32, #tpu.memory_space<vmem_shared>>) target(%dma_start3A_78 : memref<640x8xf32, #tpu.memory_space<hbm>>) target_semaphore(%run_scoped3A_75 : memref<!tpu.dma_semaphore, #tpu.memory_space<semaphore_mem>>)
      %dma_wait3A_81 = arith.constant 0 : i32
      %dma_wait3A_82 = tpu.memref_slice %arg8[%arg0, %mul3A_74, %dma_wait3A_81] : memref<2x10000x8xf32, #tpu.memory_space<hbm>> -> memref<1x640x8xf32, #tpu.memory_space<hbm>>
      %dma_wait3A_83 = tpu.memref_squeeze %dma_wait3A_82 : memref<1x640x8xf32, #tpu.memory_space<hbm>> -> memref<640x8xf32, #tpu.memory_space<hbm>>
      %dma_wait3A_84 = arith.constant 0 : i32
      %dma_wait3A_85 = tpu.memref_slice %arg23[%mul3A_72, %dma_wait3A_84] : memref<10000x8xf32, #tpu.memory_space<vmem_shared>> -> memref<640x8xf32, #tpu.memory_space<vmem_shared>>
      tpu.wait_dma2 semaphore(%run_scoped3A_75 : memref<!tpu.dma_semaphore, #tpu.memory_space<semaphore_mem>>) src(%dma_wait3A_85 : memref<640x8xf32, #tpu.memory_space<vmem_shared>>) dst(%dma_wait3A_83 : memref<640x8xf32, #tpu.memory_space<hbm>>)
      tpu.yield
    }) : () -> ()
    return
  }
}

#map = affine_map<(d0, d1) -> (0, 0)>
#map1 = affine_map<(d0, d1) -> (0, 0, 0)>
module attributes {stable_mosaic.version = 14 : i64} {
  func.func @body(%arg0: i32, %arg1: i32, %arg2: memref<10000x64xf32, #tpu.memory_space<hbm>>, %arg3: memref<2x320000xi32, #tpu.memory_space<hbm>>, %arg4: memref<40x8xf32, #tpu.memory_space<hbm>>, %arg5: memref<10000x8xf32, #tpu.memory_space<hbm>>, %arg6: memref<10000x64xf32, #tpu.memory_space<hbm>>, %arg7: memref<2x10000x64xf32, #tpu.memory_space<hbm>>, %arg8: memref<10000xi32, #tpu.memory_space<vmem>>, %arg9: memref<10000xi32, #tpu.memory_space<vmem>>, %arg10: memref<80x64xf32, #tpu.memory_space<vmem>>, %arg11: memref<80x64xf32, #tpu.memory_space<vmem>>, %arg12: memref<80x64xf32, #tpu.memory_space<vmem>>, %arg13: memref<80x64xf32, #tpu.memory_space<vmem>>, %arg14: memref<80x64xf32, #tpu.memory_space<vmem>>, %arg15: memref<10000x64xf32, #tpu.memory_space<vmem_shared>>, %arg16: memref<!tpu.dma_semaphore, #tpu.memory_space<semaphore_mem>>, %arg17: memref<!tpu.dma_semaphore, #tpu.memory_space<semaphore_mem>>, %arg18: memref<!tpu.dma_semaphore, #tpu.memory_space<semaphore_mem>>, %arg19: memref<!tpu.dma_semaphore, #tpu.memory_space<semaphore_mem>>, %arg20: memref<!tpu.dma_semaphore, #tpu.memory_space<semaphore_mem>>) attributes {dimension_semantics = [#tpu.dimension_semantics<core_parallel>, #tpu.dimension_semantics<subcore_parallel>], iteration_bounds = array<i64: 2, 16>, scalar_prefetch = 0 : i64, scratch_operands = 13 : i64, tpu.core_type = #tpu.core_type<sc_vector_subcore>, window_params = [{transform_indices = #map}, {transform_indices = #map}, {transform_indices = #map}, {transform_indices = #map}, {transform_indices = #map}, {transform_indices = #map1}]} {
    %mul3A = arith.constant 16 : i32
    %mul3A_0 = arith.muli %arg0, %mul3A : i32
    %add3A = arith.addi %mul3A_0, %arg1 : i32
    %mul3A_1 = arith.constant 624 : i32
    %mul3A_2 = arith.muli %arg1, %mul3A_1 : i32
    %mul3A_3 = arith.constant 624 : i32
    %mul3A_4 = arith.muli %arg1, %mul3A_3 : i32
    "tpu.region"() ({
      %run_scoped3A_67 = tpu.sem_alloc : memref<!tpu.dma_semaphore, #tpu.memory_space<semaphore_mem>>
      %dma_start3A_68 = arith.constant 0 : i32
      %dma_start3A_69 = tpu.memref_slice %arg15[%mul3A_4, %dma_start3A_68] : memref<10000x64xf32, #tpu.memory_space<vmem_shared>> -> memref<640x64xf32, #tpu.memory_space<vmem_shared>>
      %dma_start3A_70 = arith.constant 0 : i32
      %dma_start3A_71 = tpu.memref_slice %arg6[%mul3A_2, %dma_start3A_70] : memref<10000x64xf32, #tpu.memory_space<hbm>> -> memref<640x64xf32, #tpu.memory_space<hbm>>
      tpu.enqueue_dma source(%dma_start3A_71 : memref<640x64xf32, #tpu.memory_space<hbm>>) target(%dma_start3A_69 : memref<640x64xf32, #tpu.memory_space<vmem_shared>>) target_semaphore(%run_scoped3A_67 : memref<!tpu.dma_semaphore, #tpu.memory_space<semaphore_mem>>)
      %dma_wait3A_72 = arith.constant 0 : i32
      %dma_wait3A_73 = tpu.memref_slice %arg15[%mul3A_4, %dma_wait3A_72] : memref<10000x64xf32, #tpu.memory_space<vmem_shared>> -> memref<640x64xf32, #tpu.memory_space<vmem_shared>>
      %dma_wait3A_74 = arith.constant 0 : i32
      %dma_wait3A_75 = tpu.memref_slice %arg6[%mul3A_2, %dma_wait3A_74] : memref<10000x64xf32, #tpu.memory_space<hbm>> -> memref<640x64xf32, #tpu.memory_space<hbm>>
      tpu.wait_dma2 semaphore(%run_scoped3A_67 : memref<!tpu.dma_semaphore, #tpu.memory_space<semaphore_mem>>) src(%dma_wait3A_75 : memref<640x64xf32, #tpu.memory_space<hbm>>) dst(%dma_wait3A_73 : memref<640x64xf32, #tpu.memory_space<vmem_shared>>)
      tpu.yield
    }) : () -> ()
    %mul3A_5 = arith.constant 10000 : i32
    %mul3A_6 = arith.muli %add3A, %mul3A_5 : i32
    %run_scoped3A = arith.constant 0 : i32
    "tpu.region"() ({
      %run_scoped3A_67 = tpu.sem_alloc : memref<!tpu.dma_semaphore, #tpu.memory_space<semaphore_mem>>
      %dma_start3A_68 = tpu.memref_slice %arg3[%run_scoped3A, %mul3A_6] : memref<2x320000xi32, #tpu.memory_space<hbm>> -> memref<1x10000xi32, #tpu.memory_space<hbm>>
      %dma_start3A_69 = tpu.memref_squeeze %dma_start3A_68 : memref<1x10000xi32, #tpu.memory_space<hbm>> -> memref<10000xi32, #tpu.memory_space<hbm>>
      %dma_start3A_70 = tpu.memref_slice %arg3[%run_scoped3A, %mul3A_6] : memref<2x320000xi32, #tpu.memory_space<hbm>> -> memref<1x10000xi32, #tpu.memory_space<hbm>>
      %dma_start3A_71 = tpu.memref_squeeze %dma_start3A_70 : memref<1x10000xi32, #tpu.memory_space<hbm>> -> memref<10000xi32, #tpu.memory_space<hbm>>
      tpu.enqueue_dma source(%dma_start3A_71 : memref<10000xi32, #tpu.memory_space<hbm>>) target(%arg8 : memref<10000xi32, #tpu.memory_space<vmem>>) target_semaphore(%run_scoped3A_67 : memref<!tpu.dma_semaphore, #tpu.memory_space<semaphore_mem>>)
      %dma_wait3A_72 = tpu.memref_slice %arg3[%run_scoped3A, %mul3A_6] : memref<2x320000xi32, #tpu.memory_space<hbm>> -> memref<1x10000xi32, #tpu.memory_space<hbm>>
      %dma_wait3A_73 = tpu.memref_squeeze %dma_wait3A_72 : memref<1x10000xi32, #tpu.memory_space<hbm>> -> memref<10000xi32, #tpu.memory_space<hbm>>
      %dma_wait3A_74 = tpu.memref_slice %arg3[%run_scoped3A, %mul3A_6] : memref<2x320000xi32, #tpu.memory_space<hbm>> -> memref<1x10000xi32, #tpu.memory_space<hbm>>
      %dma_wait3A_75 = tpu.memref_squeeze %dma_wait3A_74 : memref<1x10000xi32, #tpu.memory_space<hbm>> -> memref<10000xi32, #tpu.memory_space<hbm>>
      tpu.wait_dma2 semaphore(%run_scoped3A_67 : memref<!tpu.dma_semaphore, #tpu.memory_space<semaphore_mem>>) src(%dma_wait3A_75 : memref<10000xi32, #tpu.memory_space<hbm>>) dst(%arg8 : memref<10000xi32, #tpu.memory_space<vmem>>)
      tpu.yield
    }) : () -> ()
    %mul3A_7 = arith.constant 10000 : i32
    %mul3A_8 = arith.muli %add3A, %mul3A_7 : i32
    %run_scoped3A_9 = arith.constant 1 : i32
    "tpu.region"() ({
      %run_scoped3A_67 = tpu.sem_alloc : memref<!tpu.dma_semaphore, #tpu.memory_space<semaphore_mem>>
      %dma_start3A_68 = tpu.memref_slice %arg3[%run_scoped3A_9, %mul3A_8] : memref<2x320000xi32, #tpu.memory_space<hbm>> -> memref<1x10000xi32, #tpu.memory_space<hbm>>
      %dma_start3A_69 = tpu.memref_squeeze %dma_start3A_68 : memref<1x10000xi32, #tpu.memory_space<hbm>> -> memref<10000xi32, #tpu.memory_space<hbm>>
      %dma_start3A_70 = tpu.memref_slice %arg3[%run_scoped3A_9, %mul3A_8] : memref<2x320000xi32, #tpu.memory_space<hbm>> -> memref<1x10000xi32, #tpu.memory_space<hbm>>
      %dma_start3A_71 = tpu.memref_squeeze %dma_start3A_70 : memref<1x10000xi32, #tpu.memory_space<hbm>> -> memref<10000xi32, #tpu.memory_space<hbm>>
      tpu.enqueue_dma source(%dma_start3A_71 : memref<10000xi32, #tpu.memory_space<hbm>>) target(%arg9 : memref<10000xi32, #tpu.memory_space<vmem>>) target_semaphore(%run_scoped3A_67 : memref<!tpu.dma_semaphore, #tpu.memory_space<semaphore_mem>>)
      %dma_wait3A_72 = tpu.memref_slice %arg3[%run_scoped3A_9, %mul3A_8] : memref<2x320000xi32, #tpu.memory_space<hbm>> -> memref<1x10000xi32, #tpu.memory_space<hbm>>
      %dma_wait3A_73 = tpu.memref_squeeze %dma_wait3A_72 : memref<1x10000xi32, #tpu.memory_space<hbm>> -> memref<10000xi32, #tpu.memory_space<hbm>>
      %dma_wait3A_74 = tpu.memref_slice %arg3[%run_scoped3A_9, %mul3A_8] : memref<2x320000xi32, #tpu.memory_space<hbm>> -> memref<1x10000xi32, #tpu.memory_space<hbm>>
      %dma_wait3A_75 = tpu.memref_squeeze %dma_wait3A_74 : memref<1x10000xi32, #tpu.memory_space<hbm>> -> memref<10000xi32, #tpu.memory_space<hbm>>
      tpu.wait_dma2 semaphore(%run_scoped3A_67 : memref<!tpu.dma_semaphore, #tpu.memory_space<semaphore_mem>>) src(%dma_wait3A_75 : memref<10000xi32, #tpu.memory_space<hbm>>) dst(%arg9 : memref<10000xi32, #tpu.memory_space<vmem>>)
      tpu.yield
    }) : () -> ()
    %barrier3A = arith.constant 0 : index
    tpu.barrier barrier_id(%barrier3A)
    %dma_start3A = arith.constant 0 : i32
    %dma_start3A_10 = tpu.memref_slice %arg8[%dma_start3A] : memref<10000xi32, #tpu.memory_space<vmem>> -> memref<80xi32, #tpu.memory_space<vmem>>
    %dma_start3A_11 = arith.constant 0 : i32
    %dma_start3A_12 = arith.constant 0 : i32
    %dma_start3A_13 = tpu.memref_slice %arg2[%dma_start3A_11, %dma_start3A_12] : memref<10000x64xf32, #tpu.memory_space<hbm>> -> memref<10000x64xf32, #tpu.memory_space<hbm>>
    tpu.enqueue_indirect_dma source(%dma_start3A_13 : memref<10000x64xf32, #tpu.memory_space<hbm>>) target(%arg10 : memref<80x64xf32, #tpu.memory_space<vmem>>) offsets(%dma_start3A_10 : memref<80xi32, #tpu.memory_space<vmem>>) semaphore(%arg16 : memref<!tpu.dma_semaphore, #tpu.memory_space<semaphore_mem>>)
    %dma_start3A_14 = arith.constant 80 : i32
    %dma_start3A_15 = tpu.memref_slice %arg8[%dma_start3A_14] : memref<10000xi32, #tpu.memory_space<vmem>> -> memref<80xi32, #tpu.memory_space<vmem>>
    %dma_start3A_16 = arith.constant 0 : i32
    %dma_start3A_17 = arith.constant 0 : i32
    %dma_start3A_18 = tpu.memref_slice %arg2[%dma_start3A_16, %dma_start3A_17] : memref<10000x64xf32, #tpu.memory_space<hbm>> -> memref<10000x64xf32, #tpu.memory_space<hbm>>
    tpu.enqueue_indirect_dma source(%dma_start3A_18 : memref<10000x64xf32, #tpu.memory_space<hbm>>) target(%arg11 : memref<80x64xf32, #tpu.memory_space<vmem>>) offsets(%dma_start3A_15 : memref<80xi32, #tpu.memory_space<vmem>>) semaphore(%arg17 : memref<!tpu.dma_semaphore, #tpu.memory_space<semaphore_mem>>)
    %dma_start3A_19 = arith.constant 160 : i32
    %dma_start3A_20 = tpu.memref_slice %arg8[%dma_start3A_19] : memref<10000xi32, #tpu.memory_space<vmem>> -> memref<80xi32, #tpu.memory_space<vmem>>
    %dma_start3A_21 = arith.constant 0 : i32
    %dma_start3A_22 = arith.constant 0 : i32
    %dma_start3A_23 = tpu.memref_slice %arg2[%dma_start3A_21, %dma_start3A_22] : memref<10000x64xf32, #tpu.memory_space<hbm>> -> memref<10000x64xf32, #tpu.memory_space<hbm>>
    tpu.enqueue_indirect_dma source(%dma_start3A_23 : memref<10000x64xf32, #tpu.memory_space<hbm>>) target(%arg12 : memref<80x64xf32, #tpu.memory_space<vmem>>) offsets(%dma_start3A_20 : memref<80xi32, #tpu.memory_space<vmem>>) semaphore(%arg18 : memref<!tpu.dma_semaphore, #tpu.memory_space<semaphore_mem>>)
    %dma_start3A_24 = arith.constant 240 : i32
    %dma_start3A_25 = tpu.memref_slice %arg8[%dma_start3A_24] : memref<10000xi32, #tpu.memory_space<vmem>> -> memref<80xi32, #tpu.memory_space<vmem>>
    %dma_start3A_26 = arith.constant 0 : i32
    %dma_start3A_27 = arith.constant 0 : i32
    %dma_start3A_28 = tpu.memref_slice %arg2[%dma_start3A_26, %dma_start3A_27] : memref<10000x64xf32, #tpu.memory_space<hbm>> -> memref<10000x64xf32, #tpu.memory_space<hbm>>
    tpu.enqueue_indirect_dma source(%dma_start3A_28 : memref<10000x64xf32, #tpu.memory_space<hbm>>) target(%arg13 : memref<80x64xf32, #tpu.memory_space<vmem>>) offsets(%dma_start3A_25 : memref<80xi32, #tpu.memory_space<vmem>>) semaphore(%arg19 : memref<!tpu.dma_semaphore, #tpu.memory_space<semaphore_mem>>)
    %dma_start3A_29 = arith.constant 320 : i32
    %dma_start3A_30 = tpu.memref_slice %arg8[%dma_start3A_29] : memref<10000xi32, #tpu.memory_space<vmem>> -> memref<80xi32, #tpu.memory_space<vmem>>
    %dma_start3A_31 = arith.constant 0 : i32
    %dma_start3A_32 = arith.constant 0 : i32
    %dma_start3A_33 = tpu.memref_slice %arg2[%dma_start3A_31, %dma_start3A_32] : memref<10000x64xf32, #tpu.memory_space<hbm>> -> memref<10000x64xf32, #tpu.memory_space<hbm>>
    tpu.enqueue_indirect_dma source(%dma_start3A_33 : memref<10000x64xf32, #tpu.memory_space<hbm>>) target(%arg14 : memref<80x64xf32, #tpu.memory_space<vmem>>) offsets(%dma_start3A_30 : memref<80xi32, #tpu.memory_space<vmem>>) semaphore(%arg20 : memref<!tpu.dma_semaphore, #tpu.memory_space<semaphore_mem>>)
    %scan3A = arith.constant 0 : i32
    %scan3A_34 = arith.constant 24 : i32
    %scan3A_35 = arith.addi %scan3A, %scan3A_34 : i32
    %scan3A_36 = arith.constant 1 : i32
    scf.for %scan3A_67 = %scan3A to %scan3A_35 step %scan3A_36  : i32 {
      %mul3A_68 = arith.constant 5 : i32
      %mul3A_69 = arith.muli %scan3A_67, %mul3A_68 : i32
      %add3A_70 = arith.constant 0 : i32
      %add3A_71 = arith.addi %add3A_70, %mul3A_69 : i32
      %add3A_72 = arith.constant 0 : i32
      %add3A_73 = arith.addi %add3A_71, %add3A_72 : i32
      %mul3A_74 = arith.constant 80 : i32
      %mul3A_75 = arith.muli %add3A_73, %mul3A_74 : i32
      %dma_wait3A_76 = tpu.memref_slice %arg8[%mul3A_75] : memref<10000xi32, #tpu.memory_space<vmem>> -> memref<80xi32, #tpu.memory_space<vmem>>
      %dma_wait3A_77 = arith.constant 0 : i32
      %dma_wait3A_78 = arith.constant 0 : i32
      %dma_wait3A_79 = tpu.memref_slice %arg2[%dma_wait3A_77, %dma_wait3A_78] : memref<10000x64xf32, #tpu.memory_space<hbm>> -> memref<10000x64xf32, #tpu.memory_space<hbm>>
      tpu.wait_indirect_dma semaphore(%arg16 : memref<!tpu.dma_semaphore, #tpu.memory_space<semaphore_mem>>) src(%dma_wait3A_79 : memref<10000x64xf32, #tpu.memory_space<hbm>>) dst(%arg10 : memref<80x64xf32, #tpu.memory_space<vmem>>)
      %add3A_80 = arith.constant 0 : i32
      %add3A_81 = arith.addi %add3A_71, %add3A_80 : i32
      %mul3A_82 = arith.constant 80 : i32
      %mul3A_83 = arith.muli %add3A_81, %mul3A_82 : i32
      "tpu.region"() ({
        %run_scoped3A_182 = tpu.sem_alloc : memref<!tpu.dma_semaphore, #tpu.memory_space<semaphore_mem>>
        %dma_start3A_183 = tpu.memref_slice %arg9[%mul3A_83] : memref<10000xi32, #tpu.memory_space<vmem>> -> memref<80xi32, #tpu.memory_space<vmem>>
        %dma_start3A_184 = arith.constant 0 : i32
        %dma_start3A_185 = arith.constant 0 : i32
        %dma_start3A_186 = tpu.memref_slice %arg15[%dma_start3A_184, %dma_start3A_185] : memref<10000x64xf32, #tpu.memory_space<vmem_shared>> -> memref<10000x64xf32, #tpu.memory_space<vmem_shared>>
        tpu.enqueue_indirect_dma source(%arg10 : memref<80x64xf32, #tpu.memory_space<vmem>>) target(%dma_start3A_186 : memref<10000x64xf32, #tpu.memory_space<vmem_shared>>) offsets(%dma_start3A_183 : memref<80xi32, #tpu.memory_space<vmem>>) semaphore(%run_scoped3A_182 : memref<!tpu.dma_semaphore, #tpu.memory_space<semaphore_mem>>) {add = true}
        %dma_wait3A_187 = tpu.memref_slice %arg9[%mul3A_83] : memref<10000xi32, #tpu.memory_space<vmem>> -> memref<80xi32, #tpu.memory_space<vmem>>
        %dma_wait3A_188 = arith.constant 0 : i32
        %dma_wait3A_189 = arith.constant 0 : i32
        %dma_wait3A_190 = tpu.memref_slice %arg15[%dma_wait3A_188, %dma_wait3A_189] : memref<10000x64xf32, #tpu.memory_space<vmem_shared>> -> memref<10000x64xf32, #tpu.memory_space<vmem_shared>>
        tpu.wait_indirect_dma semaphore(%run_scoped3A_182 : memref<!tpu.dma_semaphore, #tpu.memory_space<semaphore_mem>>) src(%arg10 : memref<80x64xf32, #tpu.memory_space<vmem>>) dst(%dma_wait3A_190 : memref<10000x64xf32, #tpu.memory_space<vmem_shared>>)
        tpu.yield
      }) : () -> ()
      %add3A_84 = arith.constant 0 : i32
      %add3A_85 = arith.addi %add3A_71, %add3A_84 : i32
      %add3A_86 = arith.constant 5 : i32
      %add3A_87 = arith.addi %add3A_85, %add3A_86 : i32
      %mul3A_88 = arith.constant 80 : i32
      %mul3A_89 = arith.muli %add3A_87, %mul3A_88 : i32
      %dma_start3A_90 = tpu.memref_slice %arg8[%mul3A_89] : memref<10000xi32, #tpu.memory_space<vmem>> -> memref<80xi32, #tpu.memory_space<vmem>>
      %dma_start3A_91 = arith.constant 0 : i32
      %dma_start3A_92 = arith.constant 0 : i32
      %dma_start3A_93 = tpu.memref_slice %arg2[%dma_start3A_91, %dma_start3A_92] : memref<10000x64xf32, #tpu.memory_space<hbm>> -> memref<10000x64xf32, #tpu.memory_space<hbm>>
      tpu.enqueue_indirect_dma source(%dma_start3A_93 : memref<10000x64xf32, #tpu.memory_space<hbm>>) target(%arg10 : memref<80x64xf32, #tpu.memory_space<vmem>>) offsets(%dma_start3A_90 : memref<80xi32, #tpu.memory_space<vmem>>) semaphore(%arg16 : memref<!tpu.dma_semaphore, #tpu.memory_space<semaphore_mem>>)
      %add3A_94 = arith.constant 1 : i32
      %add3A_95 = arith.addi %add3A_71, %add3A_94 : i32
      %mul3A_96 = arith.constant 80 : i32
      %mul3A_97 = arith.muli %add3A_95, %mul3A_96 : i32
      %dma_wait3A_98 = tpu.memref_slice %arg8[%mul3A_97] : memref<10000xi32, #tpu.memory_space<vmem>> -> memref<80xi32, #tpu.memory_space<vmem>>
      %dma_wait3A_99 = arith.constant 0 : i32
      %dma_wait3A_100 = arith.constant 0 : i32
      %dma_wait3A_101 = tpu.memref_slice %arg2[%dma_wait3A_99, %dma_wait3A_100] : memref<10000x64xf32, #tpu.memory_space<hbm>> -> memref<10000x64xf32, #tpu.memory_space<hbm>>
      tpu.wait_indirect_dma semaphore(%arg17 : memref<!tpu.dma_semaphore, #tpu.memory_space<semaphore_mem>>) src(%dma_wait3A_101 : memref<10000x64xf32, #tpu.memory_space<hbm>>) dst(%arg11 : memref<80x64xf32, #tpu.memory_space<vmem>>)
      %add3A_102 = arith.constant 1 : i32
      %add3A_103 = arith.addi %add3A_71, %add3A_102 : i32
      %mul3A_104 = arith.constant 80 : i32
      %mul3A_105 = arith.muli %add3A_103, %mul3A_104 : i32
      "tpu.region"() ({
        %run_scoped3A_182 = tpu.sem_alloc : memref<!tpu.dma_semaphore, #tpu.memory_space<semaphore_mem>>
        %dma_start3A_183 = tpu.memref_slice %arg9[%mul3A_105] : memref<10000xi32, #tpu.memory_space<vmem>> -> memref<80xi32, #tpu.memory_space<vmem>>
        %dma_start3A_184 = arith.constant 0 : i32
        %dma_start3A_185 = arith.constant 0 : i32
        %dma_start3A_186 = tpu.memref_slice %arg15[%dma_start3A_184, %dma_start3A_185] : memref<10000x64xf32, #tpu.memory_space<vmem_shared>> -> memref<10000x64xf32, #tpu.memory_space<vmem_shared>>
        tpu.enqueue_indirect_dma source(%arg11 : memref<80x64xf32, #tpu.memory_space<vmem>>) target(%dma_start3A_186 : memref<10000x64xf32, #tpu.memory_space<vmem_shared>>) offsets(%dma_start3A_183 : memref<80xi32, #tpu.memory_space<vmem>>) semaphore(%run_scoped3A_182 : memref<!tpu.dma_semaphore, #tpu.memory_space<semaphore_mem>>) {add = true}
        %dma_wait3A_187 = tpu.memref_slice %arg9[%mul3A_105] : memref<10000xi32, #tpu.memory_space<vmem>> -> memref<80xi32, #tpu.memory_space<vmem>>
        %dma_wait3A_188 = arith.constant 0 : i32
        %dma_wait3A_189 = arith.constant 0 : i32
        %dma_wait3A_190 = tpu.memref_slice %arg15[%dma_wait3A_188, %dma_wait3A_189] : memref<10000x64xf32, #tpu.memory_space<vmem_shared>> -> memref<10000x64xf32, #tpu.memory_space<vmem_shared>>
        tpu.wait_indirect_dma semaphore(%run_scoped3A_182 : memref<!tpu.dma_semaphore, #tpu.memory_space<semaphore_mem>>) src(%arg11 : memref<80x64xf32, #tpu.memory_space<vmem>>) dst(%dma_wait3A_190 : memref<10000x64xf32, #tpu.memory_space<vmem_shared>>)
        tpu.yield
      }) : () -> ()
      %add3A_106 = arith.constant 1 : i32
      %add3A_107 = arith.addi %add3A_71, %add3A_106 : i32
      %add3A_108 = arith.constant 5 : i32
      %add3A_109 = arith.addi %add3A_107, %add3A_108 : i32
      %mul3A_110 = arith.constant 80 : i32
      %mul3A_111 = arith.muli %add3A_109, %mul3A_110 : i32
      %dma_start3A_112 = tpu.memref_slice %arg8[%mul3A_111] : memref<10000xi32, #tpu.memory_space<vmem>> -> memref<80xi32, #tpu.memory_space<vmem>>
      %dma_start3A_113 = arith.constant 0 : i32
      %dma_start3A_114 = arith.constant 0 : i32
      %dma_start3A_115 = tpu.memref_slice %arg2[%dma_start3A_113, %dma_start3A_114] : memref<10000x64xf32, #tpu.memory_space<hbm>> -> memref<10000x64xf32, #tpu.memory_space<hbm>>
      tpu.enqueue_indirect_dma source(%dma_start3A_115 : memref<10000x64xf32, #tpu.memory_space<hbm>>) target(%arg11 : memref<80x64xf32, #tpu.memory_space<vmem>>) offsets(%dma_start3A_112 : memref<80xi32, #tpu.memory_space<vmem>>) semaphore(%arg17 : memref<!tpu.dma_semaphore, #tpu.memory_space<semaphore_mem>>)
      %add3A_116 = arith.constant 2 : i32
      %add3A_117 = arith.addi %add3A_71, %add3A_116 : i32
      %mul3A_118 = arith.constant 80 : i32
      %mul3A_119 = arith.muli %add3A_117, %mul3A_118 : i32
      %dma_wait3A_120 = tpu.memref_slice %arg8[%mul3A_119] : memref<10000xi32, #tpu.memory_space<vmem>> -> memref<80xi32, #tpu.memory_space<vmem>>
      %dma_wait3A_121 = arith.constant 0 : i32
      %dma_wait3A_122 = arith.constant 0 : i32
      %dma_wait3A_123 = tpu.memref_slice %arg2[%dma_wait3A_121, %dma_wait3A_122] : memref<10000x64xf32, #tpu.memory_space<hbm>> -> memref<10000x64xf32, #tpu.memory_space<hbm>>
      tpu.wait_indirect_dma semaphore(%arg18 : memref<!tpu.dma_semaphore, #tpu.memory_space<semaphore_mem>>) src(%dma_wait3A_123 : memref<10000x64xf32, #tpu.memory_space<hbm>>) dst(%arg12 : memref<80x64xf32, #tpu.memory_space<vmem>>)
      %add3A_124 = arith.constant 2 : i32
      %add3A_125 = arith.addi %add3A_71, %add3A_124 : i32
      %mul3A_126 = arith.constant 80 : i32
      %mul3A_127 = arith.muli %add3A_125, %mul3A_126 : i32
      "tpu.region"() ({
        %run_scoped3A_182 = tpu.sem_alloc : memref<!tpu.dma_semaphore, #tpu.memory_space<semaphore_mem>>
        %dma_start3A_183 = tpu.memref_slice %arg9[%mul3A_127] : memref<10000xi32, #tpu.memory_space<vmem>> -> memref<80xi32, #tpu.memory_space<vmem>>
        %dma_start3A_184 = arith.constant 0 : i32
        %dma_start3A_185 = arith.constant 0 : i32
        %dma_start3A_186 = tpu.memref_slice %arg15[%dma_start3A_184, %dma_start3A_185] : memref<10000x64xf32, #tpu.memory_space<vmem_shared>> -> memref<10000x64xf32, #tpu.memory_space<vmem_shared>>
        tpu.enqueue_indirect_dma source(%arg12 : memref<80x64xf32, #tpu.memory_space<vmem>>) target(%dma_start3A_186 : memref<10000x64xf32, #tpu.memory_space<vmem_shared>>) offsets(%dma_start3A_183 : memref<80xi32, #tpu.memory_space<vmem>>) semaphore(%run_scoped3A_182 : memref<!tpu.dma_semaphore, #tpu.memory_space<semaphore_mem>>) {add = true}
        %dma_wait3A_187 = tpu.memref_slice %arg9[%mul3A_127] : memref<10000xi32, #tpu.memory_space<vmem>> -> memref<80xi32, #tpu.memory_space<vmem>>
        %dma_wait3A_188 = arith.constant 0 : i32
        %dma_wait3A_189 = arith.constant 0 : i32
        %dma_wait3A_190 = tpu.memref_slice %arg15[%dma_wait3A_188, %dma_wait3A_189] : memref<10000x64xf32, #tpu.memory_space<vmem_shared>> -> memref<10000x64xf32, #tpu.memory_space<vmem_shared>>
        tpu.wait_indirect_dma semaphore(%run_scoped3A_182 : memref<!tpu.dma_semaphore, #tpu.memory_space<semaphore_mem>>) src(%arg12 : memref<80x64xf32, #tpu.memory_space<vmem>>) dst(%dma_wait3A_190 : memref<10000x64xf32, #tpu.memory_space<vmem_shared>>)
        tpu.yield
      }) : () -> ()
      %add3A_128 = arith.constant 2 : i32
      %add3A_129 = arith.addi %add3A_71, %add3A_128 : i32
      %add3A_130 = arith.constant 5 : i32
      %add3A_131 = arith.addi %add3A_129, %add3A_130 : i32
      %mul3A_132 = arith.constant 80 : i32
      %mul3A_133 = arith.muli %add3A_131, %mul3A_132 : i32
      %dma_start3A_134 = tpu.memref_slice %arg8[%mul3A_133] : memref<10000xi32, #tpu.memory_space<vmem>> -> memref<80xi32, #tpu.memory_space<vmem>>
      %dma_start3A_135 = arith.constant 0 : i32
      %dma_start3A_136 = arith.constant 0 : i32
      %dma_start3A_137 = tpu.memref_slice %arg2[%dma_start3A_135, %dma_start3A_136] : memref<10000x64xf32, #tpu.memory_space<hbm>> -> memref<10000x64xf32, #tpu.memory_space<hbm>>
      tpu.enqueue_indirect_dma source(%dma_start3A_137 : memref<10000x64xf32, #tpu.memory_space<hbm>>) target(%arg12 : memref<80x64xf32, #tpu.memory_space<vmem>>) offsets(%dma_start3A_134 : memref<80xi32, #tpu.memory_space<vmem>>) semaphore(%arg18 : memref<!tpu.dma_semaphore, #tpu.memory_space<semaphore_mem>>)
      %add3A_138 = arith.constant 3 : i32
      %add3A_139 = arith.addi %add3A_71, %add3A_138 : i32
      %mul3A_140 = arith.constant 80 : i32
      %mul3A_141 = arith.muli %add3A_139, %mul3A_140 : i32
      %dma_wait3A_142 = tpu.memref_slice %arg8[%mul3A_141] : memref<10000xi32, #tpu.memory_space<vmem>> -> memref<80xi32, #tpu.memory_space<vmem>>
      %dma_wait3A_143 = arith.constant 0 : i32
      %dma_wait3A_144 = arith.constant 0 : i32
      %dma_wait3A_145 = tpu.memref_slice %arg2[%dma_wait3A_143, %dma_wait3A_144] : memref<10000x64xf32, #tpu.memory_space<hbm>> -> memref<10000x64xf32, #tpu.memory_space<hbm>>
      tpu.wait_indirect_dma semaphore(%arg19 : memref<!tpu.dma_semaphore, #tpu.memory_space<semaphore_mem>>) src(%dma_wait3A_145 : memref<10000x64xf32, #tpu.memory_space<hbm>>) dst(%arg13 : memref<80x64xf32, #tpu.memory_space<vmem>>)
      %add3A_146 = arith.constant 3 : i32
      %add3A_147 = arith.addi %add3A_71, %add3A_146 : i32
      %mul3A_148 = arith.constant 80 : i32
      %mul3A_149 = arith.muli %add3A_147, %mul3A_148 : i32
      "tpu.region"() ({
        %run_scoped3A_182 = tpu.sem_alloc : memref<!tpu.dma_semaphore, #tpu.memory_space<semaphore_mem>>
        %dma_start3A_183 = tpu.memref_slice %arg9[%mul3A_149] : memref<10000xi32, #tpu.memory_space<vmem>> -> memref<80xi32, #tpu.memory_space<vmem>>
        %dma_start3A_184 = arith.constant 0 : i32
        %dma_start3A_185 = arith.constant 0 : i32
        %dma_start3A_186 = tpu.memref_slice %arg15[%dma_start3A_184, %dma_start3A_185] : memref<10000x64xf32, #tpu.memory_space<vmem_shared>> -> memref<10000x64xf32, #tpu.memory_space<vmem_shared>>
        tpu.enqueue_indirect_dma source(%arg13 : memref<80x64xf32, #tpu.memory_space<vmem>>) target(%dma_start3A_186 : memref<10000x64xf32, #tpu.memory_space<vmem_shared>>) offsets(%dma_start3A_183 : memref<80xi32, #tpu.memory_space<vmem>>) semaphore(%run_scoped3A_182 : memref<!tpu.dma_semaphore, #tpu.memory_space<semaphore_mem>>) {add = true}
        %dma_wait3A_187 = tpu.memref_slice %arg9[%mul3A_149] : memref<10000xi32, #tpu.memory_space<vmem>> -> memref<80xi32, #tpu.memory_space<vmem>>
        %dma_wait3A_188 = arith.constant 0 : i32
        %dma_wait3A_189 = arith.constant 0 : i32
        %dma_wait3A_190 = tpu.memref_slice %arg15[%dma_wait3A_188, %dma_wait3A_189] : memref<10000x64xf32, #tpu.memory_space<vmem_shared>> -> memref<10000x64xf32, #tpu.memory_space<vmem_shared>>
        tpu.wait_indirect_dma semaphore(%run_scoped3A_182 : memref<!tpu.dma_semaphore, #tpu.memory_space<semaphore_mem>>) src(%arg13 : memref<80x64xf32, #tpu.memory_space<vmem>>) dst(%dma_wait3A_190 : memref<10000x64xf32, #tpu.memory_space<vmem_shared>>)
        tpu.yield
      }) : () -> ()
      %add3A_150 = arith.constant 3 : i32
      %add3A_151 = arith.addi %add3A_71, %add3A_150 : i32
      %add3A_152 = arith.constant 5 : i32
      %add3A_153 = arith.addi %add3A_151, %add3A_152 : i32
      %mul3A_154 = arith.constant 80 : i32
      %mul3A_155 = arith.muli %add3A_153, %mul3A_154 : i32
      %dma_start3A_156 = tpu.memref_slice %arg8[%mul3A_155] : memref<10000xi32, #tpu.memory_space<vmem>> -> memref<80xi32, #tpu.memory_space<vmem>>
      %dma_start3A_157 = arith.constant 0 : i32
      %dma_start3A_158 = arith.constant 0 : i32
      %dma_start3A_159 = tpu.memref_slice %arg2[%dma_start3A_157, %dma_start3A_158] : memref<10000x64xf32, #tpu.memory_space<hbm>> -> memref<10000x64xf32, #tpu.memory_space<hbm>>
      tpu.enqueue_indirect_dma source(%dma_start3A_159 : memref<10000x64xf32, #tpu.memory_space<hbm>>) target(%arg13 : memref<80x64xf32, #tpu.memory_space<vmem>>) offsets(%dma_start3A_156 : memref<80xi32, #tpu.memory_space<vmem>>) semaphore(%arg19 : memref<!tpu.dma_semaphore, #tpu.memory_space<semaphore_mem>>)
      %add3A_160 = arith.constant 4 : i32
      %add3A_161 = arith.addi %add3A_71, %add3A_160 : i32
      %mul3A_162 = arith.constant 80 : i32
      %mul3A_163 = arith.muli %add3A_161, %mul3A_162 : i32
      %dma_wait3A_164 = tpu.memref_slice %arg8[%mul3A_163] : memref<10000xi32, #tpu.memory_space<vmem>> -> memref<80xi32, #tpu.memory_space<vmem>>
      %dma_wait3A_165 = arith.constant 0 : i32
      %dma_wait3A_166 = arith.constant 0 : i32
      %dma_wait3A_167 = tpu.memref_slice %arg2[%dma_wait3A_165, %dma_wait3A_166] : memref<10000x64xf32, #tpu.memory_space<hbm>> -> memref<10000x64xf32, #tpu.memory_space<hbm>>
      tpu.wait_indirect_dma semaphore(%arg20 : memref<!tpu.dma_semaphore, #tpu.memory_space<semaphore_mem>>) src(%dma_wait3A_167 : memref<10000x64xf32, #tpu.memory_space<hbm>>) dst(%arg14 : memref<80x64xf32, #tpu.memory_space<vmem>>)
      %add3A_168 = arith.constant 4 : i32
      %add3A_169 = arith.addi %add3A_71, %add3A_168 : i32
      %mul3A_170 = arith.constant 80 : i32
      %mul3A_171 = arith.muli %add3A_169, %mul3A_170 : i32
      "tpu.region"() ({
        %run_scoped3A_182 = tpu.sem_alloc : memref<!tpu.dma_semaphore, #tpu.memory_space<semaphore_mem>>
        %dma_start3A_183 = tpu.memref_slice %arg9[%mul3A_171] : memref<10000xi32, #tpu.memory_space<vmem>> -> memref<80xi32, #tpu.memory_space<vmem>>
        %dma_start3A_184 = arith.constant 0 : i32
        %dma_start3A_185 = arith.constant 0 : i32
        %dma_start3A_186 = tpu.memref_slice %arg15[%dma_start3A_184, %dma_start3A_185] : memref<10000x64xf32, #tpu.memory_space<vmem_shared>> -> memref<10000x64xf32, #tpu.memory_space<vmem_shared>>
        tpu.enqueue_indirect_dma source(%arg14 : memref<80x64xf32, #tpu.memory_space<vmem>>) target(%dma_start3A_186 : memref<10000x64xf32, #tpu.memory_space<vmem_shared>>) offsets(%dma_start3A_183 : memref<80xi32, #tpu.memory_space<vmem>>) semaphore(%run_scoped3A_182 : memref<!tpu.dma_semaphore, #tpu.memory_space<semaphore_mem>>) {add = true}
        %dma_wait3A_187 = tpu.memref_slice %arg9[%mul3A_171] : memref<10000xi32, #tpu.memory_space<vmem>> -> memref<80xi32, #tpu.memory_space<vmem>>
        %dma_wait3A_188 = arith.constant 0 : i32
        %dma_wait3A_189 = arith.constant 0 : i32
        %dma_wait3A_190 = tpu.memref_slice %arg15[%dma_wait3A_188, %dma_wait3A_189] : memref<10000x64xf32, #tpu.memory_space<vmem_shared>> -> memref<10000x64xf32, #tpu.memory_space<vmem_shared>>
        tpu.wait_indirect_dma semaphore(%run_scoped3A_182 : memref<!tpu.dma_semaphore, #tpu.memory_space<semaphore_mem>>) src(%arg14 : memref<80x64xf32, #tpu.memory_space<vmem>>) dst(%dma_wait3A_190 : memref<10000x64xf32, #tpu.memory_space<vmem_shared>>)
        tpu.yield
      }) : () -> ()
      %add3A_172 = arith.constant 4 : i32
      %add3A_173 = arith.addi %add3A_71, %add3A_172 : i32
      %add3A_174 = arith.constant 5 : i32
      %add3A_175 = arith.addi %add3A_173, %add3A_174 : i32
      %mul3A_176 = arith.constant 80 : i32
      %mul3A_177 = arith.muli %add3A_175, %mul3A_176 : i32
      %dma_start3A_178 = tpu.memref_slice %arg8[%mul3A_177] : memref<10000xi32, #tpu.memory_space<vmem>> -> memref<80xi32, #tpu.memory_space<vmem>>
      %dma_start3A_179 = arith.constant 0 : i32
      %dma_start3A_180 = arith.constant 0 : i32
      %dma_start3A_181 = tpu.memref_slice %arg2[%dma_start3A_179, %dma_start3A_180] : memref<10000x64xf32, #tpu.memory_space<hbm>> -> memref<10000x64xf32, #tpu.memory_space<hbm>>
      tpu.enqueue_indirect_dma source(%dma_start3A_181 : memref<10000x64xf32, #tpu.memory_space<hbm>>) target(%arg14 : memref<80x64xf32, #tpu.memory_space<vmem>>) offsets(%dma_start3A_178 : memref<80xi32, #tpu.memory_space<vmem>>) semaphore(%arg20 : memref<!tpu.dma_semaphore, #tpu.memory_space<semaphore_mem>>)
    }
    %scan3A_37 = arith.constant 24 : i32
    %dma_wait3A = arith.constant 9600 : i32
    %dma_wait3A_38 = tpu.memref_slice %arg8[%dma_wait3A] : memref<10000xi32, #tpu.memory_space<vmem>> -> memref<80xi32, #tpu.memory_space<vmem>>
    %dma_wait3A_39 = arith.constant 0 : i32
    %dma_wait3A_40 = arith.constant 0 : i32
    %dma_wait3A_41 = tpu.memref_slice %arg2[%dma_wait3A_39, %dma_wait3A_40] : memref<10000x64xf32, #tpu.memory_space<hbm>> -> memref<10000x64xf32, #tpu.memory_space<hbm>>
    tpu.wait_indirect_dma semaphore(%arg16 : memref<!tpu.dma_semaphore, #tpu.memory_space<semaphore_mem>>) src(%dma_wait3A_41 : memref<10000x64xf32, #tpu.memory_space<hbm>>) dst(%arg10 : memref<80x64xf32, #tpu.memory_space<vmem>>)
    "tpu.region"() ({
      %run_scoped3A_67 = tpu.sem_alloc : memref<!tpu.dma_semaphore, #tpu.memory_space<semaphore_mem>>
      %dma_start3A_68 = arith.constant 9600 : i32
      %dma_start3A_69 = tpu.memref_slice %arg9[%dma_start3A_68] : memref<10000xi32, #tpu.memory_space<vmem>> -> memref<80xi32, #tpu.memory_space<vmem>>
      %dma_start3A_70 = arith.constant 0 : i32
      %dma_start3A_71 = arith.constant 0 : i32
      %dma_start3A_72 = tpu.memref_slice %arg15[%dma_start3A_70, %dma_start3A_71] : memref<10000x64xf32, #tpu.memory_space<vmem_shared>> -> memref<10000x64xf32, #tpu.memory_space<vmem_shared>>
      tpu.enqueue_indirect_dma source(%arg10 : memref<80x64xf32, #tpu.memory_space<vmem>>) target(%dma_start3A_72 : memref<10000x64xf32, #tpu.memory_space<vmem_shared>>) offsets(%dma_start3A_69 : memref<80xi32, #tpu.memory_space<vmem>>) semaphore(%run_scoped3A_67 : memref<!tpu.dma_semaphore, #tpu.memory_space<semaphore_mem>>) {add = true}
      %dma_wait3A_73 = arith.constant 9600 : i32
      %dma_wait3A_74 = tpu.memref_slice %arg9[%dma_wait3A_73] : memref<10000xi32, #tpu.memory_space<vmem>> -> memref<80xi32, #tpu.memory_space<vmem>>
      %dma_wait3A_75 = arith.constant 0 : i32
      %dma_wait3A_76 = arith.constant 0 : i32
      %dma_wait3A_77 = tpu.memref_slice %arg15[%dma_wait3A_75, %dma_wait3A_76] : memref<10000x64xf32, #tpu.memory_space<vmem_shared>> -> memref<10000x64xf32, #tpu.memory_space<vmem_shared>>
      tpu.wait_indirect_dma semaphore(%run_scoped3A_67 : memref<!tpu.dma_semaphore, #tpu.memory_space<semaphore_mem>>) src(%arg10 : memref<80x64xf32, #tpu.memory_space<vmem>>) dst(%dma_wait3A_77 : memref<10000x64xf32, #tpu.memory_space<vmem_shared>>)
      tpu.yield
    }) : () -> ()
    %dma_wait3A_42 = arith.constant 9680 : i32
    %dma_wait3A_43 = tpu.memref_slice %arg8[%dma_wait3A_42] : memref<10000xi32, #tpu.memory_space<vmem>> -> memref<80xi32, #tpu.memory_space<vmem>>
    %dma_wait3A_44 = arith.constant 0 : i32
    %dma_wait3A_45 = arith.constant 0 : i32
    %dma_wait3A_46 = tpu.memref_slice %arg2[%dma_wait3A_44, %dma_wait3A_45] : memref<10000x64xf32, #tpu.memory_space<hbm>> -> memref<10000x64xf32, #tpu.memory_space<hbm>>
    tpu.wait_indirect_dma semaphore(%arg17 : memref<!tpu.dma_semaphore, #tpu.memory_space<semaphore_mem>>) src(%dma_wait3A_46 : memref<10000x64xf32, #tpu.memory_space<hbm>>) dst(%arg11 : memref<80x64xf32, #tpu.memory_space<vmem>>)
    "tpu.region"() ({
      %run_scoped3A_67 = tpu.sem_alloc : memref<!tpu.dma_semaphore, #tpu.memory_space<semaphore_mem>>
      %dma_start3A_68 = arith.constant 9680 : i32
      %dma_start3A_69 = tpu.memref_slice %arg9[%dma_start3A_68] : memref<10000xi32, #tpu.memory_space<vmem>> -> memref<80xi32, #tpu.memory_space<vmem>>
      %dma_start3A_70 = arith.constant 0 : i32
      %dma_start3A_71 = arith.constant 0 : i32
      %dma_start3A_72 = tpu.memref_slice %arg15[%dma_start3A_70, %dma_start3A_71] : memref<10000x64xf32, #tpu.memory_space<vmem_shared>> -> memref<10000x64xf32, #tpu.memory_space<vmem_shared>>
      tpu.enqueue_indirect_dma source(%arg11 : memref<80x64xf32, #tpu.memory_space<vmem>>) target(%dma_start3A_72 : memref<10000x64xf32, #tpu.memory_space<vmem_shared>>) offsets(%dma_start3A_69 : memref<80xi32, #tpu.memory_space<vmem>>) semaphore(%run_scoped3A_67 : memref<!tpu.dma_semaphore, #tpu.memory_space<semaphore_mem>>) {add = true}
      %dma_wait3A_73 = arith.constant 9680 : i32
      %dma_wait3A_74 = tpu.memref_slice %arg9[%dma_wait3A_73] : memref<10000xi32, #tpu.memory_space<vmem>> -> memref<80xi32, #tpu.memory_space<vmem>>
      %dma_wait3A_75 = arith.constant 0 : i32
      %dma_wait3A_76 = arith.constant 0 : i32
      %dma_wait3A_77 = tpu.memref_slice %arg15[%dma_wait3A_75, %dma_wait3A_76] : memref<10000x64xf32, #tpu.memory_space<vmem_shared>> -> memref<10000x64xf32, #tpu.memory_space<vmem_shared>>
      tpu.wait_indirect_dma semaphore(%run_scoped3A_67 : memref<!tpu.dma_semaphore, #tpu.memory_space<semaphore_mem>>) src(%arg11 : memref<80x64xf32, #tpu.memory_space<vmem>>) dst(%dma_wait3A_77 : memref<10000x64xf32, #tpu.memory_space<vmem_shared>>)
      tpu.yield
    }) : () -> ()
    %dma_wait3A_47 = arith.constant 9760 : i32
    %dma_wait3A_48 = tpu.memref_slice %arg8[%dma_wait3A_47] : memref<10000xi32, #tpu.memory_space<vmem>> -> memref<80xi32, #tpu.memory_space<vmem>>
    %dma_wait3A_49 = arith.constant 0 : i32
    %dma_wait3A_50 = arith.constant 0 : i32
    %dma_wait3A_51 = tpu.memref_slice %arg2[%dma_wait3A_49, %dma_wait3A_50] : memref<10000x64xf32, #tpu.memory_space<hbm>> -> memref<10000x64xf32, #tpu.memory_space<hbm>>
    tpu.wait_indirect_dma semaphore(%arg18 : memref<!tpu.dma_semaphore, #tpu.memory_space<semaphore_mem>>) src(%dma_wait3A_51 : memref<10000x64xf32, #tpu.memory_space<hbm>>) dst(%arg12 : memref<80x64xf32, #tpu.memory_space<vmem>>)
    "tpu.region"() ({
      %run_scoped3A_67 = tpu.sem_alloc : memref<!tpu.dma_semaphore, #tpu.memory_space<semaphore_mem>>
      %dma_start3A_68 = arith.constant 9760 : i32
      %dma_start3A_69 = tpu.memref_slice %arg9[%dma_start3A_68] : memref<10000xi32, #tpu.memory_space<vmem>> -> memref<80xi32, #tpu.memory_space<vmem>>
      %dma_start3A_70 = arith.constant 0 : i32
      %dma_start3A_71 = arith.constant 0 : i32
      %dma_start3A_72 = tpu.memref_slice %arg15[%dma_start3A_70, %dma_start3A_71] : memref<10000x64xf32, #tpu.memory_space<vmem_shared>> -> memref<10000x64xf32, #tpu.memory_space<vmem_shared>>
      tpu.enqueue_indirect_dma source(%arg12 : memref<80x64xf32, #tpu.memory_space<vmem>>) target(%dma_start3A_72 : memref<10000x64xf32, #tpu.memory_space<vmem_shared>>) offsets(%dma_start3A_69 : memref<80xi32, #tpu.memory_space<vmem>>) semaphore(%run_scoped3A_67 : memref<!tpu.dma_semaphore, #tpu.memory_space<semaphore_mem>>) {add = true}
      %dma_wait3A_73 = arith.constant 9760 : i32
      %dma_wait3A_74 = tpu.memref_slice %arg9[%dma_wait3A_73] : memref<10000xi32, #tpu.memory_space<vmem>> -> memref<80xi32, #tpu.memory_space<vmem>>
      %dma_wait3A_75 = arith.constant 0 : i32
      %dma_wait3A_76 = arith.constant 0 : i32
      %dma_wait3A_77 = tpu.memref_slice %arg15[%dma_wait3A_75, %dma_wait3A_76] : memref<10000x64xf32, #tpu.memory_space<vmem_shared>> -> memref<10000x64xf32, #tpu.memory_space<vmem_shared>>
      tpu.wait_indirect_dma semaphore(%run_scoped3A_67 : memref<!tpu.dma_semaphore, #tpu.memory_space<semaphore_mem>>) src(%arg12 : memref<80x64xf32, #tpu.memory_space<vmem>>) dst(%dma_wait3A_77 : memref<10000x64xf32, #tpu.memory_space<vmem_shared>>)
      tpu.yield
    }) : () -> ()
    %dma_wait3A_52 = arith.constant 9840 : i32
    %dma_wait3A_53 = tpu.memref_slice %arg8[%dma_wait3A_52] : memref<10000xi32, #tpu.memory_space<vmem>> -> memref<80xi32, #tpu.memory_space<vmem>>
    %dma_wait3A_54 = arith.constant 0 : i32
    %dma_wait3A_55 = arith.constant 0 : i32
    %dma_wait3A_56 = tpu.memref_slice %arg2[%dma_wait3A_54, %dma_wait3A_55] : memref<10000x64xf32, #tpu.memory_space<hbm>> -> memref<10000x64xf32, #tpu.memory_space<hbm>>
    tpu.wait_indirect_dma semaphore(%arg19 : memref<!tpu.dma_semaphore, #tpu.memory_space<semaphore_mem>>) src(%dma_wait3A_56 : memref<10000x64xf32, #tpu.memory_space<hbm>>) dst(%arg13 : memref<80x64xf32, #tpu.memory_space<vmem>>)
    "tpu.region"() ({
      %run_scoped3A_67 = tpu.sem_alloc : memref<!tpu.dma_semaphore, #tpu.memory_space<semaphore_mem>>
      %dma_start3A_68 = arith.constant 9840 : i32
      %dma_start3A_69 = tpu.memref_slice %arg9[%dma_start3A_68] : memref<10000xi32, #tpu.memory_space<vmem>> -> memref<80xi32, #tpu.memory_space<vmem>>
      %dma_start3A_70 = arith.constant 0 : i32
      %dma_start3A_71 = arith.constant 0 : i32
      %dma_start3A_72 = tpu.memref_slice %arg15[%dma_start3A_70, %dma_start3A_71] : memref<10000x64xf32, #tpu.memory_space<vmem_shared>> -> memref<10000x64xf32, #tpu.memory_space<vmem_shared>>
      tpu.enqueue_indirect_dma source(%arg13 : memref<80x64xf32, #tpu.memory_space<vmem>>) target(%dma_start3A_72 : memref<10000x64xf32, #tpu.memory_space<vmem_shared>>) offsets(%dma_start3A_69 : memref<80xi32, #tpu.memory_space<vmem>>) semaphore(%run_scoped3A_67 : memref<!tpu.dma_semaphore, #tpu.memory_space<semaphore_mem>>) {add = true}
      %dma_wait3A_73 = arith.constant 9840 : i32
      %dma_wait3A_74 = tpu.memref_slice %arg9[%dma_wait3A_73] : memref<10000xi32, #tpu.memory_space<vmem>> -> memref<80xi32, #tpu.memory_space<vmem>>
      %dma_wait3A_75 = arith.constant 0 : i32
      %dma_wait3A_76 = arith.constant 0 : i32
      %dma_wait3A_77 = tpu.memref_slice %arg15[%dma_wait3A_75, %dma_wait3A_76] : memref<10000x64xf32, #tpu.memory_space<vmem_shared>> -> memref<10000x64xf32, #tpu.memory_space<vmem_shared>>
      tpu.wait_indirect_dma semaphore(%run_scoped3A_67 : memref<!tpu.dma_semaphore, #tpu.memory_space<semaphore_mem>>) src(%arg13 : memref<80x64xf32, #tpu.memory_space<vmem>>) dst(%dma_wait3A_77 : memref<10000x64xf32, #tpu.memory_space<vmem_shared>>)
      tpu.yield
    }) : () -> ()
    %dma_wait3A_57 = arith.constant 9920 : i32
    %dma_wait3A_58 = tpu.memref_slice %arg8[%dma_wait3A_57] : memref<10000xi32, #tpu.memory_space<vmem>> -> memref<80xi32, #tpu.memory_space<vmem>>
    %dma_wait3A_59 = arith.constant 0 : i32
    %dma_wait3A_60 = arith.constant 0 : i32
    %dma_wait3A_61 = tpu.memref_slice %arg2[%dma_wait3A_59, %dma_wait3A_60] : memref<10000x64xf32, #tpu.memory_space<hbm>> -> memref<10000x64xf32, #tpu.memory_space<hbm>>
    tpu.wait_indirect_dma semaphore(%arg20 : memref<!tpu.dma_semaphore, #tpu.memory_space<semaphore_mem>>) src(%dma_wait3A_61 : memref<10000x64xf32, #tpu.memory_space<hbm>>) dst(%arg14 : memref<80x64xf32, #tpu.memory_space<vmem>>)
    "tpu.region"() ({
      %run_scoped3A_67 = tpu.sem_alloc : memref<!tpu.dma_semaphore, #tpu.memory_space<semaphore_mem>>
      %dma_start3A_68 = arith.constant 9920 : i32
      %dma_start3A_69 = tpu.memref_slice %arg9[%dma_start3A_68] : memref<10000xi32, #tpu.memory_space<vmem>> -> memref<80xi32, #tpu.memory_space<vmem>>
      %dma_start3A_70 = arith.constant 0 : i32
      %dma_start3A_71 = arith.constant 0 : i32
      %dma_start3A_72 = tpu.memref_slice %arg15[%dma_start3A_70, %dma_start3A_71] : memref<10000x64xf32, #tpu.memory_space<vmem_shared>> -> memref<10000x64xf32, #tpu.memory_space<vmem_shared>>
      tpu.enqueue_indirect_dma source(%arg14 : memref<80x64xf32, #tpu.memory_space<vmem>>) target(%dma_start3A_72 : memref<10000x64xf32, #tpu.memory_space<vmem_shared>>) offsets(%dma_start3A_69 : memref<80xi32, #tpu.memory_space<vmem>>) semaphore(%run_scoped3A_67 : memref<!tpu.dma_semaphore, #tpu.memory_space<semaphore_mem>>) {add = true}
      %dma_wait3A_73 = arith.constant 9920 : i32
      %dma_wait3A_74 = tpu.memref_slice %arg9[%dma_wait3A_73] : memref<10000xi32, #tpu.memory_space<vmem>> -> memref<80xi32, #tpu.memory_space<vmem>>
      %dma_wait3A_75 = arith.constant 0 : i32
      %dma_wait3A_76 = arith.constant 0 : i32
      %dma_wait3A_77 = tpu.memref_slice %arg15[%dma_wait3A_75, %dma_wait3A_76] : memref<10000x64xf32, #tpu.memory_space<vmem_shared>> -> memref<10000x64xf32, #tpu.memory_space<vmem_shared>>
      tpu.wait_indirect_dma semaphore(%run_scoped3A_67 : memref<!tpu.dma_semaphore, #tpu.memory_space<semaphore_mem>>) src(%arg14 : memref<80x64xf32, #tpu.memory_space<vmem>>) dst(%dma_wait3A_77 : memref<10000x64xf32, #tpu.memory_space<vmem_shared>>)
      tpu.yield
    }) : () -> ()
    %barrier3A_62 = arith.constant 0 : index
    tpu.barrier barrier_id(%barrier3A_62)
    %mul3A_63 = arith.constant 624 : i32
    %mul3A_64 = arith.muli %arg1, %mul3A_63 : i32
    %mul3A_65 = arith.constant 624 : i32
    %mul3A_66 = arith.muli %arg1, %mul3A_65 : i32
    "tpu.region"() ({
      %run_scoped3A_67 = tpu.sem_alloc : memref<!tpu.dma_semaphore, #tpu.memory_space<semaphore_mem>>
      %dma_start3A_68 = arith.constant 0 : i32
      %dma_start3A_69 = tpu.memref_slice %arg7[%arg0, %mul3A_66, %dma_start3A_68] : memref<2x10000x64xf32, #tpu.memory_space<hbm>> -> memref<1x640x64xf32, #tpu.memory_space<hbm>>
      %dma_start3A_70 = tpu.memref_squeeze %dma_start3A_69 : memref<1x640x64xf32, #tpu.memory_space<hbm>> -> memref<640x64xf32, #tpu.memory_space<hbm>>
      %dma_start3A_71 = arith.constant 0 : i32
      %dma_start3A_72 = tpu.memref_slice %arg15[%mul3A_64, %dma_start3A_71] : memref<10000x64xf32, #tpu.memory_space<vmem_shared>> -> memref<640x64xf32, #tpu.memory_space<vmem_shared>>
      tpu.enqueue_dma source(%dma_start3A_72 : memref<640x64xf32, #tpu.memory_space<vmem_shared>>) target(%dma_start3A_70 : memref<640x64xf32, #tpu.memory_space<hbm>>) target_semaphore(%run_scoped3A_67 : memref<!tpu.dma_semaphore, #tpu.memory_space<semaphore_mem>>)
      %dma_wait3A_73 = arith.constant 0 : i32
      %dma_wait3A_74 = tpu.memref_slice %arg7[%arg0, %mul3A_66, %dma_wait3A_73] : memref<2x10000x64xf32, #tpu.memory_space<hbm>> -> memref<1x640x64xf32, #tpu.memory_space<hbm>>
      %dma_wait3A_75 = tpu.memref_squeeze %dma_wait3A_74 : memref<1x640x64xf32, #tpu.memory_space<hbm>> -> memref<640x64xf32, #tpu.memory_space<hbm>>
      %dma_wait3A_76 = arith.constant 0 : i32
      %dma_wait3A_77 = tpu.memref_slice %arg15[%mul3A_64, %dma_wait3A_76] : memref<10000x64xf32, #tpu.memory_space<vmem_shared>> -> memref<640x64xf32, #tpu.memory_space<vmem_shared>>
      tpu.wait_dma2 semaphore(%run_scoped3A_67 : memref<!tpu.dma_semaphore, #tpu.memory_space<semaphore_mem>>) src(%dma_wait3A_77 : memref<640x64xf32, #tpu.memory_space<vmem_shared>>) dst(%dma_wait3A_75 : memref<640x64xf32, #tpu.memory_space<hbm>>)
      tpu.yield
    }) : () -> ()
    return
  }
}

module attributes {stable_mosaic.version = 14 : i64} {
  func.func @_layer0_body(%arg0: i32, %arg1: memref<2x2000x128xf32, #tpu.memory_space<vmem>>, %arg2: memref<2x2000x8xf32, #tpu.memory_space<vmem>>, %arg3: memref<2000x128xf32, #tpu.memory_space<vmem>>, %arg4: memref<128x128xf32, #tpu.memory_space<vmem>>, %arg5: memref<1x128xf32, #tpu.memory_space<vmem>>, %arg6: memref<128x128xf32, #tpu.memory_space<vmem>>, %arg7: memref<128x64xf32, #tpu.memory_space<vmem>>, %arg8: memref<2000x128xf32, #tpu.memory_space<vmem>>, %arg9: memref<2000x64xf32, #tpu.memory_space<vmem>>) attributes {dimension_semantics = [#tpu.dimension_semantics<arbitrary>], iteration_bounds = array<i64: 5>, scalar_prefetch = 0 : i64, scratch_operands = 0 : i64, tpu.core_type = #tpu.core_type<tc>, window_params = [{transform_indices = @transform_0, window_bounds = array<i64: 2, 2000, 128>}, {transform_indices = @transform_1, window_bounds = array<i64: 2, 2000, 8>}, {transform_indices = @transform_2, window_bounds = array<i64: 2000, 128>}, {pipeline_mode = #tpu.pipeline_mode<synchronous>, transform_indices = @transform_3, window_bounds = array<i64: 128, 128>}, {pipeline_mode = #tpu.pipeline_mode<synchronous>, transform_indices = @transform_4, window_bounds = array<i64: 1, 128>}, {pipeline_mode = #tpu.pipeline_mode<synchronous>, transform_indices = @transform_5, window_bounds = array<i64: 128, 128>}, {pipeline_mode = #tpu.pipeline_mode<synchronous>, transform_indices = @transform_6, window_bounds = array<i64: 128, 64>}, {transform_indices = @transform_7, window_bounds = array<i64: 2000, 128>}, {transform_indices = @transform_8, window_bounds = array<i64: 2000, 64>}]} {
    %get3A = arith.constant 0 : index
    %get3A_0 = arith.constant 0 : index
    %get3A_1 = arith.constant 0 : index
    %get3A_2 = vector.load %arg1[%get3A, %get3A_0, %get3A_1] : memref<2x2000x128xf32, #tpu.memory_space<vmem>>, vector<1x2000x128xf32>
    %get3A_3 = vector.shape_cast %get3A_2 : vector<1x2000x128xf32> to vector<2000x128xf32>
    %get3A_4 = arith.constant 1 : index
    %get3A_5 = arith.constant 0 : index
    %get3A_6 = arith.constant 0 : index
    %get3A_7 = vector.load %arg1[%get3A_4, %get3A_5, %get3A_6] : memref<2x2000x128xf32, #tpu.memory_space<vmem>>, vector<1x2000x128xf32>
    %get3A_8 = vector.shape_cast %get3A_7 : vector<1x2000x128xf32> to vector<2000x128xf32>
    %add3A = arith.addf %get3A_3, %get3A_8 : vector<2000x128xf32>
    %get3A_9 = arith.constant 0 : index
    %get3A_10 = arith.constant 0 : index
    %get3A_11 = arith.constant 0 : index
    %get3A_12 = vector.load %arg2[%get3A_9, %get3A_10, %get3A_11] : memref<2x2000x8xf32, #tpu.memory_space<vmem>>, vector<1x2000x1xf32>
    %get3A_13 = vector.shape_cast %get3A_12 : vector<1x2000x1xf32> to vector<2000x1xf32>
    %get3A_14 = arith.constant 1 : index
    %get3A_15 = arith.constant 0 : index
    %get3A_16 = arith.constant 0 : index
    %get3A_17 = vector.load %arg2[%get3A_14, %get3A_15, %get3A_16] : memref<2x2000x8xf32, #tpu.memory_space<vmem>>, vector<1x2000x1xf32>
    %get3A_18 = vector.shape_cast %get3A_17 : vector<1x2000x1xf32> to vector<2000x1xf32>
    %add3A_19 = arith.addf %get3A_13, %get3A_18 : vector<2000x1xf32>
    %max3A = arith.constant 1.000000e+00 : f32
    %max3A_20 = vector.broadcast %max3A : f32 to vector<2000x1xf32>
    %max3A_21 = arith.maximumf %add3A_19, %max3A_20 : vector<2000x1xf32>
    %div3A = vector.broadcast %max3A_21 : vector<2000x1xf32> to vector<2000x128xf32>
    %div3A_22 = arith.divf %add3A, %div3A : vector<2000x128xf32>
    %get3A_23 = arith.constant 0 : index
    %get3A_24 = arith.constant 0 : index
    %get3A_25 = vector.load %arg4[%get3A_23, %get3A_24] : memref<128x128xf32, #tpu.memory_space<vmem>>, vector<128x128xf32>
    %dot_general3A = arith.constant dense<0.000000e+00> : vector<2000x128xf32>
    %dot_general3A_26 = tpu.matmul %div3A_22, %get3A_25, %dot_general3A {dimension_numbers = #tpu.dot_dimension_numbers<[1], [0], [0], [1], [0, 0, 1, 1], [], []>, transpose_lhs_hint = false} : vector<2000x128xf32>, vector<128x128xf32>, vector<2000x128xf32> -> vector<2000x128xf32>
    %get3A_27 = arith.constant 0 : index
    %get3A_28 = arith.constant 0 : index
    %get3A_29 = vector.load %arg5[%get3A_27, %get3A_28] : memref<1x128xf32, #tpu.memory_space<vmem>>, vector<1x128xf32>
    %add3A_30 = vector.broadcast %get3A_29 : vector<1x128xf32> to vector<2000x128xf32>
    %add3A_31 = arith.addf %dot_general3A_26, %add3A_30 : vector<2000x128xf32>
    %get3A_32 = arith.constant 0 : index
    %get3A_33 = arith.constant 0 : index
    %get3A_34 = vector.load %arg3[%get3A_32, %get3A_33] : memref<2000x128xf32, #tpu.memory_space<vmem>>, vector<2000x128xf32>
    %get3A_35 = arith.constant 0 : index
    %get3A_36 = arith.constant 0 : index
    %get3A_37 = vector.load %arg6[%get3A_35, %get3A_36] : memref<128x128xf32, #tpu.memory_space<vmem>>, vector<128x128xf32>
    %dot_general3A_38 = arith.constant dense<0.000000e+00> : vector<2000x128xf32>
    %dot_general3A_39 = tpu.matmul %get3A_34, %get3A_37, %dot_general3A_38 {dimension_numbers = #tpu.dot_dimension_numbers<[1], [0], [0], [1], [0, 0, 1, 1], [], []>, transpose_lhs_hint = false} : vector<2000x128xf32>, vector<128x128xf32>, vector<2000x128xf32> -> vector<2000x128xf32>
    %add3A_40 = arith.addf %add3A_31, %dot_general3A_39 : vector<2000x128xf32>
    %max3A_41 = arith.constant 0.000000e+00 : f32
    %max3A_42 = vector.broadcast %max3A_41 : f32 to vector<2000x128xf32>
    %max3A_43 = arith.maximumf %add3A_40, %max3A_42 : vector<2000x128xf32>
    %swap3A = arith.constant 0 : index
    %swap3A_44 = arith.constant 0 : index
    %swap3A_45 = vector.load %arg8[%swap3A, %swap3A_44] : memref<2000x128xf32, #tpu.memory_space<vmem>>, vector<2000x128xf32>
    tpu.vector_store %arg8[%swap3A, %swap3A_44], %max3A_43 {strides = array<i32>} : memref<2000x128xf32, #tpu.memory_space<vmem>>, vector<2000x128xf32>,
    %get3A_46 = arith.constant 0 : index
    %get3A_47 = arith.constant 0 : index
    %get3A_48 = vector.load %arg7[%get3A_46, %get3A_47] : memref<128x64xf32, #tpu.memory_space<vmem>>, vector<128x64xf32>
    %dot_general3A_49 = arith.constant dense<0.000000e+00> : vector<2000x64xf32>
    %dot_general3A_50 = tpu.matmul %max3A_43, %get3A_48, %dot_general3A_49 {dimension_numbers = #tpu.dot_dimension_numbers<[1], [0], [0], [1], [0, 0, 1, 1], [], []>, transpose_lhs_hint = false} : vector<2000x128xf32>, vector<128x64xf32>, vector<2000x64xf32> -> vector<2000x64xf32>
    %swap3A_51 = arith.constant 0 : index
    %swap3A_52 = arith.constant 0 : index
    %swap3A_53 = vector.load %arg9[%swap3A_51, %swap3A_52] : memref<2000x64xf32, #tpu.memory_space<vmem>>, vector<2000x64xf32>
    tpu.vector_store %arg9[%swap3A_51, %swap3A_52], %dot_general3A_50 {strides = array<i32>} : memref<2000x64xf32, #tpu.memory_space<vmem>>, vector<2000x64xf32>,
    return
  }
  func.func @transform_0(%arg0: i32) -> (i32, i32, i32) {
    %c0_i32 = arith.constant 0 : i32
    %c0_i32_0 = arith.constant 0 : i32
    %c0_i32_1 = arith.constant 0 : i32
    return %c0_i32, %arg0, %c0_i32_0 : i32, i32, i32
  }
  func.func @transform_1(%arg0: i32) -> (i32, i32, i32) {
    %c0_i32 = arith.constant 0 : i32
    %c0_i32_0 = arith.constant 0 : i32
    %c0_i32_1 = arith.constant 0 : i32
    return %c0_i32, %arg0, %c0_i32_0 : i32, i32, i32
  }
  func.func @transform_2(%arg0: i32) -> (i32, i32) {
    %c0_i32 = arith.constant 0 : i32
    %c0_i32_0 = arith.constant 0 : i32
    return %arg0, %c0_i32 : i32, i32
  }
  func.func @transform_3(%arg0: i32) -> (i32, i32) {
    %c0_i32 = arith.constant 0 : i32
    %c0_i32_0 = arith.constant 0 : i32
    %c0_i32_1 = arith.constant 0 : i32
    return %c0_i32, %c0_i32_0 : i32, i32
  }
  func.func @transform_4(%arg0: i32) -> (i32, i32) {
    %c0_i32 = arith.constant 0 : i32
    %c0_i32_0 = arith.constant 0 : i32
    %c0_i32_1 = arith.constant 0 : i32
    return %c0_i32, %c0_i32_0 : i32, i32
  }
  func.func @transform_5(%arg0: i32) -> (i32, i32) {
    %c0_i32 = arith.constant 0 : i32
    %c0_i32_0 = arith.constant 0 : i32
    %c0_i32_1 = arith.constant 0 : i32
    return %c0_i32, %c0_i32_0 : i32, i32
  }
  func.func @transform_6(%arg0: i32) -> (i32, i32) {
    %c0_i32 = arith.constant 0 : i32
    %c0_i32_0 = arith.constant 0 : i32
    %c0_i32_1 = arith.constant 0 : i32
    return %c0_i32, %c0_i32_0 : i32, i32
  }
  func.func @transform_7(%arg0: i32) -> (i32, i32) {
    %c0_i32 = arith.constant 0 : i32
    %c0_i32_0 = arith.constant 0 : i32
    return %arg0, %c0_i32 : i32, i32
  }
  func.func @transform_8(%arg0: i32) -> (i32, i32) {
    %c0_i32 = arith.constant 0 : i32
    %c0_i32_0 = arith.constant 0 : i32
    return %arg0, %c0_i32 : i32, i32
  }
}

module attributes {stable_mosaic.version = 14 : i64} {
  func.func @_layer1_body(%arg0: i32, %arg1: memref<2x2000x64xf32, #tpu.memory_space<vmem>>, %arg2: memref<2x2000x8xf32, #tpu.memory_space<vmem>>, %arg3: memref<2000x128xf32, #tpu.memory_space<vmem>>, %arg4: memref<128x64xf32, #tpu.memory_space<vmem>>, %arg5: memref<1x64xf32, #tpu.memory_space<vmem>>, %arg6: memref<2000x64xf32, #tpu.memory_space<vmem>>) attributes {dimension_semantics = [#tpu.dimension_semantics<arbitrary>], iteration_bounds = array<i64: 5>, scalar_prefetch = 0 : i64, scratch_operands = 0 : i64, tpu.core_type = #tpu.core_type<tc>, window_params = [{transform_indices = @transform_0, window_bounds = array<i64: 2, 2000, 64>}, {transform_indices = @transform_1, window_bounds = array<i64: 2, 2000, 8>}, {transform_indices = @transform_2, window_bounds = array<i64: 2000, 128>}, {pipeline_mode = #tpu.pipeline_mode<synchronous>, transform_indices = @transform_3, window_bounds = array<i64: 128, 64>}, {pipeline_mode = #tpu.pipeline_mode<synchronous>, transform_indices = @transform_4, window_bounds = array<i64: 1, 64>}, {transform_indices = @transform_5, window_bounds = array<i64: 2000, 64>}]} {
    %get3A = arith.constant 0 : index
    %get3A_0 = arith.constant 0 : index
    %get3A_1 = arith.constant 0 : index
    %get3A_2 = vector.load %arg1[%get3A, %get3A_0, %get3A_1] : memref<2x2000x64xf32, #tpu.memory_space<vmem>>, vector<1x2000x64xf32>
    %get3A_3 = vector.shape_cast %get3A_2 : vector<1x2000x64xf32> to vector<2000x64xf32>
    %get3A_4 = arith.constant 1 : index
    %get3A_5 = arith.constant 0 : index
    %get3A_6 = arith.constant 0 : index
    %get3A_7 = vector.load %arg1[%get3A_4, %get3A_5, %get3A_6] : memref<2x2000x64xf32, #tpu.memory_space<vmem>>, vector<1x2000x64xf32>
    %get3A_8 = vector.shape_cast %get3A_7 : vector<1x2000x64xf32> to vector<2000x64xf32>
    %add3A = arith.addf %get3A_3, %get3A_8 : vector<2000x64xf32>
    %get3A_9 = arith.constant 0 : index
    %get3A_10 = arith.constant 0 : index
    %get3A_11 = arith.constant 0 : index
    %get3A_12 = vector.load %arg2[%get3A_9, %get3A_10, %get3A_11] : memref<2x2000x8xf32, #tpu.memory_space<vmem>>, vector<1x2000x1xf32>
    %get3A_13 = vector.shape_cast %get3A_12 : vector<1x2000x1xf32> to vector<2000x1xf32>
    %get3A_14 = arith.constant 1 : index
    %get3A_15 = arith.constant 0 : index
    %get3A_16 = arith.constant 0 : index
    %get3A_17 = vector.load %arg2[%get3A_14, %get3A_15, %get3A_16] : memref<2x2000x8xf32, #tpu.memory_space<vmem>>, vector<1x2000x1xf32>
    %get3A_18 = vector.shape_cast %get3A_17 : vector<1x2000x1xf32> to vector<2000x1xf32>
    %add3A_19 = arith.addf %get3A_13, %get3A_18 : vector<2000x1xf32>
    %max3A = arith.constant 1.000000e+00 : f32
    %max3A_20 = vector.broadcast %max3A : f32 to vector<2000x1xf32>
    %max3A_21 = arith.maximumf %add3A_19, %max3A_20 : vector<2000x1xf32>
    %div3A = vector.broadcast %max3A_21 : vector<2000x1xf32> to vector<2000x64xf32>
    %div3A_22 = arith.divf %add3A, %div3A : vector<2000x64xf32>
    %get3A_23 = arith.constant 0 : index
    %get3A_24 = arith.constant 0 : index
    %get3A_25 = vector.load %arg5[%get3A_23, %get3A_24] : memref<1x64xf32, #tpu.memory_space<vmem>>, vector<1x64xf32>
    %add3A_26 = vector.broadcast %get3A_25 : vector<1x64xf32> to vector<2000x64xf32>
    %add3A_27 = arith.addf %div3A_22, %add3A_26 : vector<2000x64xf32>
    %get3A_28 = arith.constant 0 : index
    %get3A_29 = arith.constant 0 : index
    %get3A_30 = vector.load %arg3[%get3A_28, %get3A_29] : memref<2000x128xf32, #tpu.memory_space<vmem>>, vector<2000x128xf32>
    %get3A_31 = arith.constant 0 : index
    %get3A_32 = arith.constant 0 : index
    %get3A_33 = vector.load %arg4[%get3A_31, %get3A_32] : memref<128x64xf32, #tpu.memory_space<vmem>>, vector<128x64xf32>
    %dot_general3A = arith.constant dense<0.000000e+00> : vector<2000x64xf32>
    %dot_general3A_34 = tpu.matmul %get3A_30, %get3A_33, %dot_general3A {dimension_numbers = #tpu.dot_dimension_numbers<[1], [0], [0], [1], [0, 0, 1, 1], [], []>, transpose_lhs_hint = false} : vector<2000x128xf32>, vector<128x64xf32>, vector<2000x64xf32> -> vector<2000x64xf32>
    %add3A_35 = arith.addf %add3A_27, %dot_general3A_34 : vector<2000x64xf32>
    %max3A_36 = arith.constant 0.000000e+00 : f32
    %max3A_37 = vector.broadcast %max3A_36 : f32 to vector<2000x64xf32>
    %max3A_38 = arith.maximumf %add3A_35, %max3A_37 : vector<2000x64xf32>
    %reduce_max3A = arith.constant dense<0xFF800000> : vector<2000xf32>
    %reduce_max3A_39 = vector.multi_reduction <maximumf>, %max3A_38, %reduce_max3A [1] : vector<2000x64xf32> to vector<2000xf32>
    %broadcast_in_dim3A = vector.shape_cast %reduce_max3A_39 : vector<2000xf32> to vector<2000x1xf32>
    %sub3A = vector.broadcast %broadcast_in_dim3A : vector<2000x1xf32> to vector<2000x64xf32>
    %sub3A_40 = arith.subf %max3A_38, %sub3A : vector<2000x64xf32>
    %exp3A = math.exp %sub3A_40 : vector<2000x64xf32>
    %reduce_sum3A = arith.constant dense<0.000000e+00> : vector<2000xf32>
    %reduce_sum3A_41 = vector.multi_reduction <add>, %exp3A, %reduce_sum3A [1] : vector<2000x64xf32> to vector<2000xf32>
    %broadcast_in_dim3A_42 = vector.shape_cast %reduce_sum3A_41 : vector<2000xf32> to vector<2000x1xf32>
    %log3A = math.log %broadcast_in_dim3A_42 : vector<2000x1xf32>
    %add3A_43 = arith.addf %log3A, %broadcast_in_dim3A : vector<2000x1xf32>
    %sub3A_44 = vector.broadcast %add3A_43 : vector<2000x1xf32> to vector<2000x64xf32>
    %sub3A_45 = arith.subf %max3A_38, %sub3A_44 : vector<2000x64xf32>
    %swap3A = arith.constant 0 : index
    %swap3A_46 = arith.constant 0 : index
    %swap3A_47 = vector.load %arg6[%swap3A, %swap3A_46] : memref<2000x64xf32, #tpu.memory_space<vmem>>, vector<2000x64xf32>
    tpu.vector_store %arg6[%swap3A, %swap3A_46], %sub3A_45 {strides = array<i32>} : memref<2000x64xf32, #tpu.memory_space<vmem>>, vector<2000x64xf32>,
    return
  }
  func.func @transform_0(%arg0: i32) -> (i32, i32, i32) {
    %c0_i32 = arith.constant 0 : i32
    %c0_i32_0 = arith.constant 0 : i32
    %c0_i32_1 = arith.constant 0 : i32
    return %c0_i32, %arg0, %c0_i32_0 : i32, i32, i32
  }
  func.func @transform_1(%arg0: i32) -> (i32, i32, i32) {
    %c0_i32 = arith.constant 0 : i32
    %c0_i32_0 = arith.constant 0 : i32
    %c0_i32_1 = arith.constant 0 : i32
    return %c0_i32, %arg0, %c0_i32_0 : i32, i32, i32
  }
  func.func @transform_2(%arg0: i32) -> (i32, i32) {
    %c0_i32 = arith.constant 0 : i32
    %c0_i32_0 = arith.constant 0 : i32
    return %arg0, %c0_i32 : i32, i32
  }
  func.func @transform_3(%arg0: i32) -> (i32, i32) {
    %c0_i32 = arith.constant 0 : i32
    %c0_i32_0 = arith.constant 0 : i32
    %c0_i32_1 = arith.constant 0 : i32
    return %c0_i32, %c0_i32_0 : i32, i32
  }
  func.func @transform_4(%arg0: i32) -> (i32, i32) {
    %c0_i32 = arith.constant 0 : i32
    %c0_i32_0 = arith.constant 0 : i32
    %c0_i32_1 = arith.constant 0 : i32
    return %c0_i32, %c0_i32_0 : i32, i32
  }
  func.func @transform_5(%arg0: i32) -> (i32, i32) {
    %c0_i32 = arith.constant 0 : i32
    %c0_i32_0 = arith.constant 0 : i32
    return %arg0, %c0_i32 : i32, i32
  }
}

</mosaic_0001>

<sc_bundles>
// kernel: kernel.6.cloned.1.call-start
scs
__scs_entry_jumppad:
0x0: {  	(pc) =	sbr.rel $0x88, $3  }
0x1: {  	(tag) =	ssettag $0x0;
	lr =	simm.s32 $0x1  }
0x2: {  	[smem:$0x3F99] =	sst lr;
	_ =	strace $0xD0000000  }
0x3: {  	_ = 	snop  }
0x4: {  	_ = 	snop  }
0x5: {  	_ = 	snop  }
0x6: {  	_ = 	snop  }
0x7: {  	_ = 	snop  }
__scs_overlays_trampoline_lowered:
0x8: {  	[smem:$0x3FA8] =	sst s0  }
0x9: {  	[smem:$0x3FA9] =	sst s1  }
0xa: {  	[smem:$0x3FAA] =	sst s2  }
0xb: {  	[smem:$0x3FAB] =	sst s3  }
0xc: {  	[smem:$0x3FAC] =	sst s4  }
0xd: {  	[smem:$0x3FAD] =	sst s5  }
0xe: {  	[smem:$0x3FAE] =	sst s6  }
0xf: {  	[smem:$0x3FAF] =	sst s7  }
0x10: {  	[smem:$0x3FB0] =	sst s8  }
0x11: {  	[smem:$0x3FB1] =	sst s9;
	s0 =	simm.s32 @!p0 $0x0  }
0x12: {  	s1 =	sld [smem:$0x3F97];
	s0 =	simm.s32 @p0 $0x1  }
0x13: {  	[smem:$0x3FB2] =	sst s0;
	s0 =	simm.s32 @!p1 $0x0  }
0x14: {  	s2 =	sld [smem:$0x3F96];
	s0 =	simm.s32 @p1 $0x1  }
0x15: {  	[smem:$0x3FB3] =	sst s0;
	s0 =	simm.s32 @!p2 $0x0  }
0x16: {  	s3 =	sld [smem:$0x3FDB];
	s0 =	simm.s32 @p2 $0x1  }
0x17: {  	s4 =	simm.s32 $0x1BF5;
	[smem:$0x3FB5] =	sst s0  }
0x18: {  	s0 =	sld [smem:$0x3F98];
	_ =	swait.ge [sflag:s4], $0x0  }
0x19: {  	s7 =	sld [smem:$0x3F99]  }
0x1a: {  	s8 =	sadd.s32 $0xFFFFE003, lr  }
0x1b: {  	s9 =	sadd.s32 $0xFFFFFEF7, lr;
	s5 =	simm.s32 $0xFFFFFFFF;
	p2 =	slt.u32 s8, $0xFFFFF086  }
0x1c: {  	p1 =	slt.u32 s9, $0xF7A;
	s5 =	simm.s32 @!p2 $0x0  }
0x1d: {  	s5 =	simm.s32 @p1 $0x1;
	p0 =	seq.s32 s7, s2  }
0x1e: {  	s7 =	smul.u32 @!p0 $0xF7A, s2;
	p2 =	seq.s32 @!p0 s5, $0x0  }
0x1f: {  	s9 =	smul.u32 $0xF7A, s1;
	s8 =	simm.s32 @!p0 $0x1BF5;
	p2 =	por !p2, p0  }
0x20: {  	[sflag:s8] =	ssyncset.s32 @!p0 $0xFFFFF086;
	s6 =	sadd.s32 @!p0 s3, s7;
	s7 =	simm.s32 @!p0 $0x108  }
0x21: {  	s3 =	sadd.s32 s3, s9;
	s6 =	sadd.s32 @!p0 $0x88, s6;
	s7 =	simm.s32 @p2 $0x1082  }
0x22: {  	[simem:s7], [sflag:s8] =	dma.local @!p0 [hbm:s6], $0xF7A  }
0x23: {  	s9 =	sor.u32 $0xD0000000, s2;
	s6 =	simm.s32 $0x108;
	_ =	swait.ge @!p0 [sflag:s8], $0x0  }
0x24: {  	s3 =	sadd.s32 $0x88, s3;
	s6 =	simm.s32 @!p1 $0x1082;
	[sflag:s4] =	ssyncset.s32 $0xFFFFF086  }
0x25: {  	[simem:s6], [sflag:s4] =	dma.local [hbm:s3], $0xF7A  }
0x26: {  	[smem:$0x3F99] =	sst s1;
	(tag) =	ssettag s2;
	_ =	strace s9  }
0x27: {  	s1 =	sld [smem:$0x3FA9]  }
0x28: {  	s2 =	sld [smem:$0x3FAA]  }
0x29: {  	s4 =	sld [smem:$0x3FAC]  }
0x2a: {  	p0 =	seq.s32 s5, $0x0;
	s5 =	sld [smem:$0x3FAD]  }
0x2b: {  	s6 =	sld [smem:$0x3FAE]  }
0x2c: {  	s7 =	sld [smem:$0x3FAF]  }
0x2d: {  	s3 =	simm.s32 $0x108;
	s8 =	sld [smem:$0x3FB0]  }
0x2e: {  	s3 =	simm.s32 @!p0 $0x1082;
	s9 =	sld [smem:$0x3FB1]  }
0x2f: {  	lr =	sadd.s32 s0, s3;
	s0 =	sld [smem:$0x3FA8]  }
0x30: {  	s3 =	sld [smem:$0x3FAB]  }
0x31: {  	[smem:$0x3FB4] =	sst s10  }
0x32: {  	s10 =	sld [smem:$0x3FB2];
	_ =	sdelay $0x3  }
0x33: {  	p0 =	seq.s32 s10, $0x1;
	s10 =	sld [smem:$0x3FB4];
	_ =	sdelay $0x3  }
0x34: {  	[smem:$0x3FB4] =	sst s10  }
0x35: {  	s10 =	sld [smem:$0x3FB3];
	_ =	sdelay $0x3  }
0x36: {  	p1 =	seq.s32 s10, $0x1;
	s10 =	sld [smem:$0x3FB4];
	_ =	sdelay $0x3  }
0x37: {  	[smem:$0x3FB4] =	sst s10  }
0x38: {  	s10 =	sld [smem:$0x3FB5]  }
0x39: {  	_ = 	snop;
	(pc) =	sbr.ind lr, $3  }
0x3a: {  	_ = 	snop  }
0x3b: {  	_ = 	snop  }
0x3c: {  	p2 =	seq.s32 s10, $0x1;
	s10 =	sld [smem:$0x3FB4]  }
0x3d: {  	_ =	shalt  }
0x3e: {  	_ =	shalt  }
0x3f: {  	_ =	shalt  }
0x40: {  	_ =	shalt  }
0x41: {  	_ =	shalt  }
0x42: {  	_ =	shalt  }
0x43: {  	_ =	shalt  }
0x44: {  	_ =	shalt  }
0x45: {  	_ =	shalt  }
0x46: {  	_ =	shalt  }
0x47: {  	_ =	shalt  }
0x48: {  	_ =	shalt  }
0x49: {  	_ =	shalt  }
0x4a: {  	_ =	shalt  }
0x4b: {  	_ =	shalt  }
0x4c: {  	_ =	shalt  }
0x4d: {  	_ =	shalt  }
0x4e: {  	_ =	shalt  }
0x4f: {  	_ =	shalt  }
0x50: {  	_ =	shalt  }
0x51: {  	_ =	shalt  }
0x52: {  	_ =	shalt  }
0x53: {  	_ =	shalt  }
0x54: {  	_ =	shalt  }
0x55: {  	_ =	shalt  }
0x56: {  	_ =	shalt  }
0x57: {  	_ =	shalt  }
0x58: {  	_ =	shalt  }
0x59: {  	_ =	shalt  }
0x5a: {  	_ =	shalt  }
0x5b: {  	_ =	shalt  }
0x5c: {  	_ =	shalt  }
0x5d: {  	_ =	shalt  }
0x5e: {  	_ =	shalt  }
0x5f: {  	_ =	shalt  }
0x60: {  	_ =	shalt  }
0x61: {  	_ =	shalt  }
0x62: {  	_ =	shalt  }
0x63: {  	_ =	shalt  }
0x64: {  	_ =	shalt  }
0x65: {  	_ =	shalt  }
0x66: {  	_ =	shalt  }
0x67: {  	_ =	shalt  }
0x68: {  	_ =	shalt  }
0x69: {  	_ =	shalt  }
0x6a: {  	_ =	shalt  }
0x6b: {  	_ =	shalt  }
0x6c: {  	_ =	shalt  }
0x6d: {  	_ =	shalt  }
0x6e: {  	_ =	shalt  }
0x6f: {  	_ =	shalt  }
0x70: {  	_ =	shalt  }
0x71: {  	_ =	shalt  }
0x72: {  	_ =	shalt  }
0x73: {  	_ =	shalt  }
0x74: {  	_ =	shalt  }
0x75: {  	_ =	shalt  }
0x76: {  	_ =	shalt  }
0x77: {  	_ =	shalt  }
0x78: {  	_ =	shalt  }
0x79: {  	_ =	shalt  }
0x7a: {  	_ =	shalt  }
0x7b: {  	_ =	shalt  }
0x7c: {  	_ =	shalt  }
0x7d: {  	_ =	shalt  }
0x7e: {  	_ =	shalt  }
0x7f: {  	_ =	shalt  }
0x80: {  	_ =	shalt  }
0x81: {  	_ =	shalt  }
0x82: {  	_ =	shalt  }
0x83: {  	_ =	shalt  }
0x84: {  	_ =	shalt  }
0x85: {  	_ =	shalt  }
0x86: {  	_ =	shalt  }
0x87: {  	_ =	shalt  }
.Lfunc_end0:
.L_simem_size_0:
called_computation_lowered:
.L_overlay_start_0:
0x88: {  	s2 =	sld [smem:$0x3FD9]  }
0x89: {  	s3 =	sld [smem:$0x3FFE];
	_ =	sdelay $0x1  }
0x8a: {  	s1 =	srdreg.scid  }
0x8b: {  	s0 =	sand.u32 $0x1, s1  }
0x8c: {  	s17 =	sshll.u32 s0, $0xA;
	s2 =	sadd.s32 s3, s2  }
0x8d: {  	s2 =	sadd.s32 s2, s17  }
0x8e: {  	[smem:$0x3FC0] =	sst s2  }
0x8f: {  	_ = 	snop  }
0x90: {  	s2 =	sld [smem:$0x3FC9]  }
0x91: {  	s18 =	sld [smem:$0x3FD0];
	(tm) =	ssettm $0x1  }
0x92: {  	s4 =	sld [smem:$0x3FFB];
	_ =	sdelay $0x3  }
0x93: {  	_ =	strace s4  }
0x94: {  	s4 =	sld [smem:$0x3FFC];
	_ =	sdelay $0x3  }
0x95: {  	_ =	strace s4  }
0x96: {  	s4 =	sld [smem:$0x3FFD];
	_ =	sdelay $0x3  }
0x97: {  	_ =	strace s4  }
0x98: {  	_ =	strace $0x8FFFFFFF  }
0x99: {  	s19 =	sld [smem:$0x3FDB];
	_ =	sdelay $0x1  }
0x9a: {  	s5 =	simm.s32 $_scs_section_size  }
0x9b: {  	s6 =	simm.s32 $_size__tile_overlayer_lowered;
	s7 =	simm.s32 $_tile_overlayer_lowered  }
0x9c: {  	s22 =	simm.s32 $0x1BFF;
	s21 =	sshll.u32 s7, $0x1;
	s4 =	sadd.s32 s5, s19  }
0x9d: {  	s8 =	simm.s32 $0x0;
	s20 =	sshll.u32 s6, $0x1;
	s6 =	sadd.s32 s21, s4  }
0x9e: {  	[timem:s8], [sflag:s22] =	dma.local [hbm:s6], s20  }
0x9f: {  	_ =	swait.ge [sflag:s22], s20  }
0xa0: {  	s5 =	ssub.s32 $0x0, s20;
	[sflag:s22] =	ssyncset.done $0x0  }
0xa1: {  	[sflag:s22] =	ssyncadd.s32 s5;
	_ =	sdelay $0x1  }
0xa2: {  	s23 =	simm.s32 $0x1B8B  }
0xa3: {  	_ =	swait.ge [sflag:s23], $0x1  }
0xa4: {  	[sflag:s23] =	ssyncset.done $0x0  }
0xa5: {  	s25 =	simm.s32 $0x1B8E;
	s24 =	sld [smem:$0x3FFE];
	[sflag:s23] =	ssyncadd.s32 $0xFFFFFFFF  }
0xa6: {  	s26 =	simm.s32 $execute0_lowered;
	[smem:$0x3FD2] =	sst s25  }
0xa7: {  	s6 =	sshll.u32 s26, $0x1;
	_ =	strace $0x80000046;
	[dreg:$0x1] =	wrdreg $0xFFFFFFFF  }
0xa8: {  	s28 =	simm.s32 $_size_execute0_lowered;
	s4 =	sadd.s32 s4, s6;
	[dreg:$0x0] =	wrdreg $0x0  }
0xa9: {  	s6 =	sshll.u32 s28, $0x1;
	[dreg:$0x2] =	wrdreg s4  }
0xaa: {  	[dreg:$0x3] =	wrdreg s6  }
0xab: {  	[dreg:$0x4] =	wrdreg $0xC0  }
0xac: {  	_ =	task [dreg:s8], $0x5FFFF  }
0xad: {  	[dreg:$0x1] =	wrdreg $0xFFFFFFFF  }
0xae: {  	[dreg:$0x0] =	wrdreg $0x60  }
0xaf: {  	[dreg:$0x2] =	wrdreg s2  }
0xb0: {  	[dreg:$0x3] =	wrdreg s18  }
0xb1: {  	[dreg:$0x4] =	wrdreg s24  }
0xb2: {  	[dreg:$0x5] =	wrdreg $0xB2200  }
0xb3: {  	[dreg:$0x6] =	wrdreg $0x1EBE00  }
0xb4: {  	[dreg:$0x7] =	wrdreg $0x9  }
0xb5: {  	_ =	task.clear_ibuf [dreg:s8], $0x8FFFF;
	_ =	strace $0x90000046  }
0xb6: {  	s29 =	simm.s32 $0x9;
	_ =	strace $0x80000048  }
0xb7: {  	_ =	swait.ge [sflag:s29], $0x1  }
0xb8: {  	[sflag:s29] =	ssyncadd.s32 $0xFFFFFFFF  }
0xb9: {  	_ =	strace $0x90000048  }
0xba: {  	_ =	sfence  }
0xbb: {  	s30 =	sld [smem:$0x0];
	_ =	sdelay $0x2  }
0xbc: {  	s31 =	sshll.u32 s1, $0xD;
	s1 =	sshrl.u32 s1, $0x2  }
0xbd: {  	s3 =	sand.u32 $0x4000, s31;
	s1 =	sadd.s32 s1, s30  }
0xbe: {  	s0 =	sor.u32 s3, s0;
	s1 =	sshll.u32 s1, $0x11  }
0xbf: {  	s0 =	sor.u32 s1, s0  }
0xc0: {  	s0 =	sadd.s32 $0x8F2B, s0  }
0xc1: {  	[sflag:s0] =	ssyncadd.remote.s32 $0x1  }
0xc2: {  	_ =	sfence.sel $0xFFFF  }
0xc3: {  	[dreg:$0x0] =	wrdreg $0xFFFFFFFF;
	(pc) =	sbr.abs _section_cstart, $3  }
0xc4: {  	[dreg:$0x1] =	wrdreg $0xFFFFFFFF  }
0xc5: {  	_ =	task.clear_ibuf [dreg:s8], $0x2FFFF;
	_ =	strace $0x9FFFFFFF  }
0xc6: {  	(tm) =	ssettm $0x7FFFFFFF  }
0xc7: {  	_ =	shalt  }
tec
execute0_lowered:
.L_overlay_start_1:
0x0: {  	(tag) =	ssettag $0x1  }
0x1: {  	s1 =	rddreg [dreg:$0x0]  }
0x2: {  	s0 =	rddreg [dreg:$0x1]  }
0x3: {  	s2 =	rddreg [dreg:$0x2]  }
0x4: {  	s3 =	rddreg [dreg:$0x3]  }
0x5: {  	s4 =	rddreg [dreg:$0x4]  }
0x6: {  	s15 =	stileid.u32;
	s7 =	srdreg.scid;
	s5 =	simm.s32 $0x0  }
0x7: {  	s16 =	simm.s32 $0x6;
	s17 =	simm.s32 $0x1EAA0;
	s29 =	simm.s32 $0x9E20  }
0x8: {  	s30 =	simm.s32 $0x1;
	s31 =	simm.s32 $0x2;
	s6 =	smul.u32 $0x1380, s15  }
0x9: {  	s28 =	simm.s32 $0x4DA8;
	s8 =	smul.u32 $0x13800, s15;
	s7 =	sand.u32 $0x1, s7  }
0xa: {  	[smem:$0x7FF] =	sst s5;
	s11 =	sadd.s32 $0x4A00, s2;
	s22 =	sshll.u32 s15, $0x6  }
0xb: {  	s9 =	smul.u32 $0x138800, s7;
	_ =	strace $0x80000047;
	[dreg:$0x6] =	wrdreg s11  }
0xc: {  	s12 =	smul.u32 $0x13880, s7;
	s19 =	sshll.u32 s7, $0x4;
	s7 =	ssub.s32 $0x2, s7  }
0xd: {  	s10 =	sshrl.u32 s6, $0x3;
	s18 =	sshrl.u32 s8, $0x3;
	s14 =	sshrl.u32 s7, $0x1  }
0xe: {  	s20 =	sadd.s32 s8, s3;
	s10 =	sadd.s32 s10, s2;
	s9 =	sadd.s32 s8, s9  }
0xf: {  	s11 =	sadd.s32 s18, s2;
	s12 =	sadd.s32 s6, s12;
	s7 =	ssub.s32 s7, s14  }
0x10: {  	s8 =	sor.u32 $0x1C06, s22;
	s6 =	sadd.s32 s6, s4;
	s22 =	simm.s32 $0x6220  }
0x11: {  	s9 =	sshrl.u32 s9, $0x3;
	s12 =	sshrl.u32 s12, $0x3;
	s21 =	sadd.s32 $0x4C00, s11  }
0x12: {  	s23 =	sadd.s32 $0x2200, s10;
	s14 =	smax.u32 s7, $0x1;
	s18 =	sshrl.u32 s6, $0x3  }
0x13: {  	s6 =	simm.s32 $0x4DD0;
	s7 =	simm.s32 $0x4DF8;
	s10 =	simm.s32 $0x0  }
0x14: {  	s13 =	sadd.s32 s9, s2;
	s9 =	sor.u32 s15, s19;
	[dreg:$0x7] =	wrdreg s21  }
0x15: {  	s2 =	sadd.s32 s12, s2;
	[dreg:$0x8] =	wrdreg s23;
	s15 =	sshrl.u32 s20, $0x3  }
0x16: {  	s20 =	simm.s32 $0x28;
	s21 =	simm.s32 $0x4E20;
	s9 =	smul.u32 $0x2710, s9  }
0x17: {  	s19 =	simm.s32 $0x5;
	s23 =	simm.s32 $0x4D58;
	s25 =	sadd.s32 $0x30E00, s13  }
0x18: {  	s26 =	sadd.s32 $0x2BE00, s2;
	[dreg:$0xa] =	wrdreg s25;
	s9 =	sshrl.u32 s9, $0x3  }
0x19: {  	s2 =	simm.s32 $0x4;
	[dreg:$0xb] =	wrdreg s26;
	s9 =	sadd.s32 s0, s9  }
0x1a: {  	s26 =	simm.s32 $0x8A20;
	s25 =	simm.s32 $0x4D80;
	s24 =	sadd.s32 $0x9C40, s9  }
0x1b: {  	s0 =	simm.s32 $0x3;
	[dreg:$0x9] =	wrdreg s24;
	s24 =	simm.s32 $0x7620  }
.LBB2_1:
0x1c: {  	s11 =	rddreg [dreg:$0x7]  }
0x1d: {  	[spmem:s15], [sflag:s8] =	dma.local [hbm:s11], $0x2800  }
0x1e: {  	_ =	swait.ge [sflag:s16], $0x2800  }
0x1f: {  	[sflag:s16] =	ssyncset.done $0x0  }
0x20: {  	s13 =	rddreg [dreg:$0x6];
	[sflag:s16] =	ssyncadd.s32 $0xFFFFD800  }
0x21: {  	[tilespmem:s17], [sflag:$0x6] =	stream.linear.gather [hbm4b:s13+s5], $0x140, $0x38;
	[tilespmem:$0x1FF68] =	vst v63  }
0x22: {  	_ =	swait.ge [sflag:s16], $0x140  }
0x23: {  	[sflag:s16] =	ssyncset.done $0x0  }
0x24: {  	s12 =	rddreg [dreg:$0x8];
	[sflag:s16] =	ssyncadd.s32 $0xFFFFFEC0  }
0x25: {  	[spmem:s18], [sflag:s8] =	dma.local [hbm:s12], $0x280  }
0x26: {  	_ =	swait.ge [sflag:s16], $0x280  }
0x27: {  	[sflag:s16] =	ssyncset.done $0x0  }
0x28: {  	[sflag:s16] =	ssyncadd.s32 $0xFFFFFD80  }
0x29: {  	[tilespmem:s5], [sflag:$0x6] =	stream.linear.gather [hbm4b:s9+s5], $0x2710, $0x38;
	[tilespmem:$0x1FF68] =	vst v63  }
0x2a: {  	_ =	swait.ge [sflag:s16], $0x2710  }
0x2b: {  	[sflag:s16] =	ssyncset.done $0x0  }
0x2c: {  	s12 =	simm.s32 $0x2710;
	s13 =	rddreg [dreg:$0x9];
	[sflag:s16] =	ssyncadd.s32 $0xFFFFD8F0  }
0x2d: {  	[tilespmem:s12], [sflag:$0x6] =	stream.linear.gather [hbm4b:s13+s5], $0x2710, $0x38;
	[tilespmem:$0x1FF68] =	vst v63  }
0x2e: {  	_ =	swait.ge [sflag:s16], $0x2710  }
0x2f: {  	[sflag:s16] =	ssyncset.done $0x0  }
0x30: {  	[sflag:s16] =	ssyncadd.s32 $0xFFFFD8F0  }
0x31: {  	[bflag:$0x0] =	sbarrier.arrive $0xFFFF  }
0x32: {  	[tilespmem:s21], [sflag:$0x1] =	stream.indirect.gather [hbm4b:s1+s20], $0x80, s5, s20, $0xb8;
	[tilespmem:$0x1FF68] =	vst v63  }
0x33: {  	_ = 	snop  }
0x34: {  	[tilespmem:s22], [sflag:$0x2] =	stream.indirect.gather [hbm4b:s1+s20], $0x80, s20, s20, $0xb8;
	[tilespmem:$0x1FF68] =	vst v63  }
0x35: {  	s12 =	simm.s32 $0x50  }
0x36: {  	[tilespmem:s24], [sflag:$0x3] =	stream.indirect.gather [hbm4b:s1+s20], $0x80, s12, s20, $0xb8;
	[tilespmem:$0x1FF68] =	vst v63  }
0x37: {  	s13 =	simm.s32 $0x78  }
0x38: {  	[tilespmem:s26], [sflag:$0x4] =	stream.indirect.gather [hbm4b:s1+s20], $0x80, s13, s20, $0xb8;
	[tilespmem:$0x1FF68] =	vst v63  }
0x39: {  	s12 =	simm.s32 $0xA0  }
0x3a: {  	[tilespmem:s29], [sflag:$0x5] =	stream.indirect.gather [hbm4b:s1+s20], $0x80, s12, s20, $0xb8;
	[tilespmem:$0x1FF68] =	vst v63  }
0x3b: {  	_ =	swait.ge [sflag:s30], $0x1400  }
0x3c: {  	[sflag:s30] =	ssyncset.done $0x0  }
0x3d: {  	s13 =	simm.s32 $0x2710;
	[sflag:s30] =	ssyncadd.s32 $0xFFFFEC00  }
0x3e: {  	[spmem:s3] =	stream.indirect.scatter.add.f32 [tilespmem:s21], [sflag:$0x6], $0x80, s13, s20, $0xb8;
	[tilespmem:$0x1FF68] =	vst v63  }
0x3f: {  	_ =	swait.ge [sflag:s16], $0x1400  }
0x40: {  	[sflag:s16] =	ssyncset.done $0x0  }
0x41: {  	[sflag:s16] =	ssyncadd.s32 $0xFFFFEC00  }
0x42: {  	[spmem:s4] =	stream.indirect.scatter.add.f32 [tilespmem:s17], [sflag:$0x6], $0x8, s13, s20, $0xb8;
	[tilespmem:$0x1FF68] =	vst v63  }
0x43: {  	_ =	swait.ge [sflag:s16], $0x140  }
0x44: {  	[sflag:s16] =	ssyncset.done $0x0  }
0x45: {  	s12 =	simm.s32 $0xC8;
	[sflag:s16] =	ssyncadd.s32 $0xFFFFFEC0  }
0x46: {  	[tilespmem:s21], [sflag:$0x1] =	stream.indirect.gather [hbm4b:s1+s20], $0x80, s12, s20, $0xb8;
	[tilespmem:$0x1FF68] =	vst v63  }
0x47: {  	_ =	swait.ge [sflag:s31], $0x1400  }
0x48: {  	[sflag:s31] =	ssyncset.done $0x0  }
0x49: {  	s13 =	simm.s32 $0x2738;
	[sflag:s31] =	ssyncadd.s32 $0xFFFFEC00  }
0x4a: {  	[spmem:s3] =	stream.indirect.scatter.add.f32 [tilespmem:s22], [sflag:$0x6], $0x80, s13, s20, $0xb8;
	[tilespmem:$0x1FF68] =	vst v63  }
0x4b: {  	_ =	swait.ge [sflag:s16], $0x1400  }
0x4c: {  	[sflag:s16] =	ssyncset.done $0x0  }
0x4d: {  	[sflag:s16] =	ssyncadd.s32 $0xFFFFEC00  }
0x4e: {  	[spmem:s4] =	stream.indirect.scatter.add.f32 [tilespmem:s17], [sflag:$0x6], $0x8, s13, s20, $0xb8;
	[tilespmem:$0x1FF68] =	vst v63  }
0x4f: {  	_ =	swait.ge [sflag:s16], $0x140  }
0x50: {  	[sflag:s16] =	ssyncset.done $0x0  }
0x51: {  	s12 =	simm.s32 $0xF0;
	[sflag:s16] =	ssyncadd.s32 $0xFFFFFEC0  }
0x52: {  	[tilespmem:s22], [sflag:$0x2] =	stream.indirect.gather [hbm4b:s1+s20], $0x80, s12, s20, $0xb8;
	[tilespmem:$0x1FF68] =	vst v63  }
0x53: {  	_ =	swait.ge [sflag:s0], $0x1400  }
0x54: {  	[sflag:s0] =	ssyncset.done $0x0  }
0x55: {  	s13 =	simm.s32 $0x2760;
	[sflag:s0] =	ssyncadd.s32 $0xFFFFEC00  }
0x56: {  	[spmem:s3] =	stream.indirect.scatter.add.f32 [tilespmem:s24], [sflag:$0x6], $0x80, s13, s20, $0xb8;
	[tilespmem:$0x1FF68] =	vst v63  }
0x57: {  	_ =	swait.ge [sflag:s16], $0x1400  }
0x58: {  	[sflag:s16] =	ssyncset.done $0x0  }
0x59: {  	[sflag:s16] =	ssyncadd.s32 $0xFFFFEC00  }
0x5a: {  	[spmem:s4] =	stream.indirect.scatter.add.f32 [tilespmem:s17], [sflag:$0x6], $0x8, s13, s20, $0xb8;
	[tilespmem:$0x1FF68] =	vst v63  }
0x5b: {  	_ =	swait.ge [sflag:s16], $0x140  }
0x5c: {  	[sflag:s16] =	ssyncset.done $0x0  }
0x5d: {  	s12 =	simm.s32 $0x118;
	[sflag:s16] =	ssyncadd.s32 $0xFFFFFEC0  }
0x5e: {  	[tilespmem:s24], [sflag:$0x3] =	stream.indirect.gather [hbm4b:s1+s20], $0x80, s12, s20, $0xb8;
	[tilespmem:$0x1FF68] =	vst v63  }
0x5f: {  	_ =	swait.ge [sflag:s2], $0x1400  }
0x60: {  	[sflag:s2] =	ssyncset.done $0x0  }
0x61: {  	s13 =	simm.s32 $0x2788;
	[sflag:s2] =	ssyncadd.s32 $0xFFFFEC00  }
0x62: {  	[spmem:s3] =	stream.indirect.scatter.add.f32 [tilespmem:s26], [sflag:$0x6], $0x80, s13, s20, $0xb8;
	[tilespmem:$0x1FF68] =	vst v63  }
0x63: {  	_ =	swait.ge [sflag:s16], $0x1400  }
0x64: {  	[sflag:s16] =	ssyncset.done $0x0  }
0x65: {  	[sflag:s16] =	ssyncadd.s32 $0xFFFFEC00  }
0x66: {  	[spmem:s4] =	stream.indirect.scatter.add.f32 [tilespmem:s17], [sflag:$0x6], $0x8, s13, s20, $0xb8;
	[tilespmem:$0x1FF68] =	vst v63  }
0x67: {  	_ =	swait.ge [sflag:s16], $0x140  }
0x68: {  	[sflag:s16] =	ssyncset.done $0x0  }
0x69: {  	s12 =	simm.s32 $0x140;
	[sflag:s16] =	ssyncadd.s32 $0xFFFFFEC0  }
0x6a: {  	[tilespmem:s26], [sflag:$0x4] =	stream.indirect.gather [hbm4b:s1+s20], $0x80, s12, s20, $0xb8;
	[tilespmem:$0x1FF68] =	vst v63  }
0x6b: {  	_ =	swait.ge [sflag:s19], $0x1400  }
0x6c: {  	[sflag:s19] =	ssyncset.done $0x0  }
0x6d: {  	s13 =	simm.s32 $0x27B0;
	[sflag:s19] =	ssyncadd.s32 $0xFFFFEC00  }
0x6e: {  	[spmem:s3] =	stream.indirect.scatter.add.f32 [tilespmem:s29], [sflag:$0x6], $0x80, s13, s20, $0xb8;
	[tilespmem:$0x1FF68] =	vst v63  }
0x6f: {  	_ =	swait.ge [sflag:s16], $0x1400  }
0x70: {  	[sflag:s16] =	ssyncset.done $0x0  }
0x71: {  	[sflag:s16] =	ssyncadd.s32 $0xFFFFEC00  }
0x72: {  	[spmem:s4] =	stream.indirect.scatter.add.f32 [tilespmem:s17], [sflag:$0x6], $0x8, s13, s20, $0xb8;
	[tilespmem:$0x1FF68] =	vst v63  }
0x73: {  	_ =	swait.ge [sflag:s16], $0x140  }
0x74: {  	[sflag:s16] =	ssyncset.done $0x0  }
0x75: {  	s11 =	simm.s32 $0x320;
	s12 =	simm.s32 $0x168;
	[sflag:s16] =	ssyncadd.s32 $0xFFFFFEC0  }
.LBB2_2:
0x76: {  	[tilespmem:s29], [sflag:$0x5] =	stream.indirect.gather [hbm4b:s1+s20], $0x80, s12, s20, $0xb8;
	[tilespmem:$0x1FF68] =	vst v63  }
0x77: {  	s12 =	smov.u32 s11  }
0x78: {  	p0 =	sne.s32 s11, $0x9600;
	s11 =	sadd.s32 $0x320, s11;
	_ =	swait.ge [sflag:s30], $0x1400  }
0x79: {  	s12 =	sshra.s32 s12, $0x2;
	[sflag:s30] =	ssyncset.done $0x0  }
0x7a: {  	s13 =	sadd.s32 $0x2710, s12;
	[sflag:s30] =	ssyncadd.s32 $0xFFFFEC00  }
0x7b: {  	[spmem:s3] =	stream.indirect.scatter.add.f32 [tilespmem:s21], [sflag:$0x6], $0x80, s13, s20, $0xb8;
	[tilespmem:$0x1FF68] =	vst v63  }
0x7c: {  	_ =	swait.ge [sflag:s16], $0x1400  }
0x7d: {  	[sflag:s16] =	ssyncset.done $0x0  }
0x7e: {  	[sflag:s16] =	ssyncadd.s32 $0xFFFFEC00  }
0x7f: {  	[spmem:s4] =	stream.indirect.scatter.add.f32 [tilespmem:s17], [sflag:$0x6], $0x8, s13, s20, $0xb8;
	[tilespmem:$0x1FF68] =	vst v63  }
0x80: {  	_ =	swait.ge [sflag:s16], $0x140  }
0x81: {  	[sflag:s16] =	ssyncset.done $0x0  }
0x82: {  	s13 =	sadd.s32 $0xC8, s12;
	[sflag:s16] =	ssyncadd.s32 $0xFFFFFEC0  }
0x83: {  	[tilespmem:s21], [sflag:$0x1] =	stream.indirect.gather [hbm4b:s1+s20], $0x80, s13, s20, $0xb8;
	[tilespmem:$0x1FF68] =	vst v63  }
0x84: {  	_ =	swait.ge [sflag:s31], $0x1400  }
0x85: {  	[sflag:s31] =	ssyncset.done $0x0  }
0x86: {  	s13 =	sadd.s32 $0x2738, s12;
	[sflag:s31] =	ssyncadd.s32 $0xFFFFEC00  }
0x87: {  	[spmem:s3] =	stream.indirect.scatter.add.f32 [tilespmem:s22], [sflag:$0x6], $0x80, s13, s20, $0xb8;
	[tilespmem:$0x1FF68] =	vst v63  }
0x88: {  	_ =	swait.ge [sflag:s16], $0x1400  }
0x89: {  	[sflag:s16] =	ssyncset.done $0x0  }
0x8a: {  	[sflag:s16] =	ssyncadd.s32 $0xFFFFEC00  }
0x8b: {  	[spmem:s4] =	stream.indirect.scatter.add.f32 [tilespmem:s17], [sflag:$0x6], $0x8, s13, s20, $0xb8;
	[tilespmem:$0x1FF68] =	vst v63  }
0x8c: {  	_ =	swait.ge [sflag:s16], $0x140  }
0x8d: {  	[sflag:s16] =	ssyncset.done $0x0  }
0x8e: {  	s13 =	sadd.s32 $0xF0, s12;
	[sflag:s16] =	ssyncadd.s32 $0xFFFFFEC0  }
0x8f: {  	[tilespmem:s22], [sflag:$0x2] =	stream.indirect.gather [hbm4b:s1+s20], $0x80, s13, s20, $0xb8;
	[tilespmem:$0x1FF68] =	vst v63  }
0x90: {  	_ =	swait.ge [sflag:s0], $0x1400  }
0x91: {  	[sflag:s0] =	ssyncset.done $0x0  }
0x92: {  	s13 =	sadd.s32 $0x2760, s12;
	[sflag:s0] =	ssyncadd.s32 $0xFFFFEC00  }
0x93: {  	[spmem:s3] =	stream.indirect.scatter.add.f32 [tilespmem:s24], [sflag:$0x6], $0x80, s13, s20, $0xb8;
	[tilespmem:$0x1FF68] =	vst v63  }
0x94: {  	_ =	swait.ge [sflag:s16], $0x1400  }
0x95: {  	[sflag:s16] =	ssyncset.done $0x0  }
0x96: {  	[sflag:s16] =	ssyncadd.s32 $0xFFFFEC00  }
0x97: {  	[spmem:s4] =	stream.indirect.scatter.add.f32 [tilespmem:s17], [sflag:$0x6], $0x8, s13, s20, $0xb8;
	[tilespmem:$0x1FF68] =	vst v63  }
0x98: {  	_ =	swait.ge [sflag:s16], $0x140  }
0x99: {  	[sflag:s16] =	ssyncset.done $0x0  }
0x9a: {  	s13 =	sadd.s32 $0x118, s12;
	[sflag:s16] =	ssyncadd.s32 $0xFFFFFEC0  }
0x9b: {  	[tilespmem:s24], [sflag:$0x3] =	stream.indirect.gather [hbm4b:s1+s20], $0x80, s13, s20, $0xb8;
	[tilespmem:$0x1FF68] =	vst v63  }
0x9c: {  	_ =	swait.ge [sflag:s2], $0x1400  }
0x9d: {  	[sflag:s2] =	ssyncset.done $0x0  }
0x9e: {  	s13 =	sadd.s32 $0x2788, s12;
	[sflag:s2] =	ssyncadd.s32 $0xFFFFEC00  }
0x9f: {  	[spmem:s3] =	stream.indirect.scatter.add.f32 [tilespmem:s26], [sflag:$0x6], $0x80, s13, s20, $0xb8;
	[tilespmem:$0x1FF68] =	vst v63  }
0xa0: {  	_ =	swait.ge [sflag:s16], $0x1400  }
0xa1: {  	[sflag:s16] =	ssyncset.done $0x0  }
0xa2: {  	[sflag:s16] =	ssyncadd.s32 $0xFFFFEC00  }
0xa3: {  	[spmem:s4] =	stream.indirect.scatter.add.f32 [tilespmem:s17], [sflag:$0x6], $0x8, s13, s20, $0xb8;
	[tilespmem:$0x1FF68] =	vst v63  }
0xa4: {  	_ =	swait.ge [sflag:s16], $0x140  }
0xa5: {  	[sflag:s16] =	ssyncset.done $0x0  }
0xa6: {  	s13 =	sadd.s32 $0x140, s12;
	[sflag:s16] =	ssyncadd.s32 $0xFFFFFEC0  }
0xa7: {  	[tilespmem:s26], [sflag:$0x4] =	stream.indirect.gather [hbm4b:s1+s20], $0x80, s13, s20, $0xb8;
	[tilespmem:$0x1FF68] =	vst v63  }
0xa8: {  	_ =	swait.ge [sflag:s19], $0x1400  }
0xa9: {  	[sflag:s19] =	ssyncset.done $0x0  }
0xaa: {  	s13 =	sadd.s32 $0x27B0, s12;
	[sflag:s19] =	ssyncadd.s32 $0xFFFFEC00  }
0xab: {  	[spmem:s3] =	stream.indirect.scatter.add.f32 [tilespmem:s29], [sflag:$0x6], $0x80, s13, s20, $0xb8;
	[tilespmem:$0x1FF68] =	vst v63  }
0xac: {  	_ =	swait.ge [sflag:s16], $0x1400  }
0xad: {  	[sflag:s16] =	ssyncset.done $0x0  }
.Ltmp0:
0xae: {  	[sflag:s16] =	ssyncadd.s32 $0xFFFFEC00;
	(pc) =	sbr.rel @p0 .LBB2_2-.Ltmp0, $4  }
0xaf: {  	[spmem:s4] =	stream.indirect.scatter.add.f32 [tilespmem:s17], [sflag:$0x6], $0x8, s13, s20, $0xb8;
	[tilespmem:$0x1FF68] =	vst v63  }
0xb0: {  	_ =	swait.ge [sflag:s16], $0x140  }
0xb1: {  	[sflag:s16] =	ssyncset.done $0x0  }
0xb2: {  	s12 =	sadd.s32 $0x168, s12;
	[sflag:s16] =	ssyncadd.s32 $0xFFFFFEC0  }
0xb3: {  	[tilespmem:s29], [sflag:$0x5] =	stream.indirect.gather [hbm4b:s1+s20], $0x80, s12, s20, $0xb8;
	[tilespmem:$0x1FF68] =	vst v63  }
0xb4: {  	_ =	swait.ge [sflag:s30], $0x1400  }
0xb5: {  	[sflag:s30] =	ssyncset.done $0x0  }
0xb6: {  	[sflag:s30] =	ssyncadd.s32 $0xFFFFEC00  }
0xb7: {  	[spmem:s3] =	stream.indirect.scatter.add.f32 [tilespmem:s21], [sflag:$0x6], $0x80, s23, s20, $0xb8;
	[tilespmem:$0x1FF68] =	vst v63  }
0xb8: {  	_ =	swait.ge [sflag:s16], $0x1400  }
0xb9: {  	[sflag:s16] =	ssyncset.done $0x0  }
0xba: {  	[sflag:s16] =	ssyncadd.s32 $0xFFFFEC00  }
0xbb: {  	[spmem:s4] =	stream.indirect.scatter.add.f32 [tilespmem:s17], [sflag:$0x6], $0x8, s23, s20, $0xb8;
	[tilespmem:$0x1FF68] =	vst v63  }
0xbc: {  	_ =	swait.ge [sflag:s16], $0x140  }
0xbd: {  	[sflag:s16] =	ssyncset.done $0x0  }
0xbe: {  	[sflag:s16] =	ssyncadd.s32 $0xFFFFFEC0  }
0xbf: {  	_ =	swait.ge [sflag:s31], $0x1400  }
0xc0: {  	[sflag:s31] =	ssyncset.done $0x0  }
0xc1: {  	[sflag:s31] =	ssyncadd.s32 $0xFFFFEC00  }
0xc2: {  	[spmem:s3] =	stream.indirect.scatter.add.f32 [tilespmem:s22], [sflag:$0x6], $0x80, s25, s20, $0xb8;
	[tilespmem:$0x1FF68] =	vst v63  }
0xc3: {  	_ =	swait.ge [sflag:s16], $0x1400  }
0xc4: {  	[sflag:s16] =	ssyncset.done $0x0  }
0xc5: {  	[sflag:s16] =	ssyncadd.s32 $0xFFFFEC00  }
0xc6: {  	[spmem:s4] =	stream.indirect.scatter.add.f32 [tilespmem:s17], [sflag:$0x6], $0x8, s25, s20, $0xb8;
	[tilespmem:$0x1FF68] =	vst v63  }
0xc7: {  	_ =	swait.ge [sflag:s16], $0x140  }
0xc8: {  	[sflag:s16] =	ssyncset.done $0x0  }
0xc9: {  	[sflag:s16] =	ssyncadd.s32 $0xFFFFFEC0  }
0xca: {  	_ =	swait.ge [sflag:s0], $0x1400  }
0xcb: {  	[sflag:s0] =	ssyncset.done $0x0  }
0xcc: {  	[sflag:s0] =	ssyncadd.s32 $0xFFFFEC00  }
0xcd: {  	[spmem:s3] =	stream.indirect.scatter.add.f32 [tilespmem:s24], [sflag:$0x6], $0x80, s28, s20, $0xb8;
	[tilespmem:$0x1FF68] =	vst v63  }
0xce: {  	_ =	swait.ge [sflag:s16], $0x1400  }
0xcf: {  	[sflag:s16] =	ssyncset.done $0x0  }
0xd0: {  	[sflag:s16] =	ssyncadd.s32 $0xFFFFEC00  }
0xd1: {  	[spmem:s4] =	stream.indirect.scatter.add.f32 [tilespmem:s17], [sflag:$0x6], $0x8, s28, s20, $0xb8;
	[tilespmem:$0x1FF68] =	vst v63  }
0xd2: {  	_ =	swait.ge [sflag:s16], $0x140  }
0xd3: {  	[sflag:s16] =	ssyncset.done $0x0  }
0xd4: {  	[sflag:s16] =	ssyncadd.s32 $0xFFFFFEC0  }
0xd5: {  	_ =	swait.ge [sflag:s2], $0x1400  }
0xd6: {  	[sflag:s2] =	ssyncset.done $0x0  }
0xd7: {  	[sflag:s2] =	ssyncadd.s32 $0xFFFFEC00  }
0xd8: {  	[spmem:s3] =	stream.indirect.scatter.add.f32 [tilespmem:s26], [sflag:$0x6], $0x80, s6, s20, $0xb8;
	[tilespmem:$0x1FF68] =	vst v63  }
0xd9: {  	_ =	swait.ge [sflag:s16], $0x1400  }
0xda: {  	[sflag:s16] =	ssyncset.done $0x0  }
0xdb: {  	[sflag:s16] =	ssyncadd.s32 $0xFFFFEC00  }
0xdc: {  	[spmem:s4] =	stream.indirect.scatter.add.f32 [tilespmem:s17], [sflag:$0x6], $0x8, s6, s20, $0xb8;
	[tilespmem:$0x1FF68] =	vst v63  }
0xdd: {  	_ =	swait.ge [sflag:s16], $0x140  }
0xde: {  	[sflag:s16] =	ssyncset.done $0x0  }
0xdf: {  	[sflag:s16] =	ssyncadd.s32 $0xFFFFFEC0  }
0xe0: {  	_ =	swait.ge [sflag:s19], $0x1400  }
0xe1: {  	[sflag:s19] =	ssyncset.done $0x0  }
0xe2: {  	[sflag:s19] =	ssyncadd.s32 $0xFFFFEC00  }
0xe3: {  	[spmem:s3] =	stream.indirect.scatter.add.f32 [tilespmem:s29], [sflag:$0x6], $0x80, s7, s20, $0xb8;
	[tilespmem:$0x1FF68] =	vst v63  }
0xe4: {  	_ =	swait.ge [sflag:s16], $0x1400  }
0xe5: {  	[sflag:s16] =	ssyncset.done $0x0  }
0xe6: {  	[sflag:s16] =	ssyncadd.s32 $0xFFFFEC00  }
0xe7: {  	[spmem:s4] =	stream.indirect.scatter.add.f32 [tilespmem:s17], [sflag:$0x6], $0x8, s7, s20, $0xb8;
	[tilespmem:$0x1FF68] =	vst v63  }
0xe8: {  	_ =	swait.ge [sflag:s16], $0x140  }
0xe9: {  	[sflag:s16] =	ssyncset.done $0x0  }
0xea: {  	[sflag:s16] =	ssyncadd.s32 $0xFFFFFEC0  }
0xeb: {  	[bflag:$0x0] =	sbarrier.arrive $0xFFFF  }
0xec: {  	s11 =	rddreg [dreg:$0xa]  }
0xed: {  	[hbm:s11], [sflag:s8] =	dma.local [spmem:s15], $0x2800  }
0xee: {  	s10 =	sadd.s32 $0x1, s10;
	_ =	swait.ge [sflag:s16], $0x2800  }
0xef: {  	p0 =	sne.s32 s10, s14;
	[sflag:s16] =	ssyncset.done $0x0  }
.Ltmp1:
0xf0: {  	s13 =	rddreg [dreg:$0xb];
	[sflag:s16] =	ssyncadd.s32 $0xFFFFD800;
	(pc) =	sbr.rel @p0 .LBB2_1-.Ltmp1, $4  }
0xf1: {  	[hbm:s13], [sflag:s8] =	dma.local [spmem:s18], $0x280  }
0xf2: {  	_ =	swait.ge [sflag:s16], $0x280  }
0xf3: {  	[sflag:s16] =	ssyncset.done $0x0  }
0xf4: {  	[sflag:s16] =	ssyncadd.s32 $0xFFFFFD80  }
0xf5: {  	_ =	sfence.sel $0x180000  }
0xf6: {  	[bflag:$0x0] =	sbarrier.arrive $0xFFFF  }
0xf7: {  	_ =	strace $0x90000047  }
0xf8: {  	s0 =	stileid.u32;
	[bflag:$0x2] =	sbarrier.arrive $0xFFFF  }
0xf9: {  	p0 =	sne.s32 s0, $0x0;
	s0 =	rddreg [dreg:$0x5]  }
0xfa: {  	s0 =	sadd.s32 @!p0 $0x100000, s0  }
0xfb: {  	[sflag:s0] =	ssyncadd.tile.s32 @!p0 $0x1;
	_ =	shalt  }
.Lfunc_end2:
_tile_overlayer_lowered:
.L_overlay_start_2:
0xfc: {  	(tag) =	ssettag $0x2  }
0xfd: {  	s0 =	rddreg [dreg:$0x0];
	s2 =	stileid.u32  }
0xfe: {  	s1 =	rddreg [dreg:$0x1];
	p0 =	sne.s32 s2, $0x0  }
0xff: {  	s3 =	rddreg [dreg:$0x2];
	[bflag:$0x3] =	sbarrier.arrive $0xFFFF;
	s2 =	simm.s32 @!p0 $0x1C06  }
0x100: {  	[timem:s3], [sflag:s2] =	dma.local @!p0 [hbm:s0], s1  }
0x101: {  	s0 =	simm.s32 @!p0 $0x6  }
0x102: {  	_ =	swait.ge @!p0 [sflag:s0], s1  }
0x103: {  	s1 =	ssub.s32 @!p0 $0x0, s1;
	[sflag:s0] =	ssyncset.done @!p0 $0x0  }
0x104: {  	[sflag:s0] =	ssyncadd.s32 @!p0 s1  }
0x105: {  	[bflag:$0x3] =	sbarrier.arrive $0xFFFF  }
0x106: {  	_ =	shalt  }

// kernel: kernel.9.cloned.1.call-start
scs
__scs_entry_jumppad:
0x0: {  	(pc) =	sbr.rel $0x88, $3  }
0x1: {  	(tag) =	ssettag $0x0;
	lr =	simm.s32 $0x1  }
0x2: {  	[smem:$0x3F99] =	sst lr;
	_ =	strace $0xD0000000  }
0x3: {  	_ = 	snop  }
0x4: {  	_ = 	snop  }
0x5: {  	_ = 	snop  }
0x6: {  	_ = 	snop  }
0x7: {  	_ = 	snop  }
__scs_overlays_trampoline_lowered:
0x8: {  	[smem:$0x3FA8] =	sst s0  }
0x9: {  	[smem:$0x3FA9] =	sst s1  }
0xa: {  	[smem:$0x3FAA] =	sst s2  }
0xb: {  	[smem:$0x3FAB] =	sst s3  }
0xc: {  	[smem:$0x3FAC] =	sst s4  }
0xd: {  	[smem:$0x3FAD] =	sst s5  }
0xe: {  	[smem:$0x3FAE] =	sst s6  }
0xf: {  	[smem:$0x3FAF] =	sst s7  }
0x10: {  	[smem:$0x3FB0] =	sst s8  }
0x11: {  	[smem:$0x3FB1] =	sst s9;
	s0 =	simm.s32 @!p0 $0x0  }
0x12: {  	s1 =	sld [smem:$0x3F97];
	s0 =	simm.s32 @p0 $0x1  }
0x13: {  	[smem:$0x3FB2] =	sst s0;
	s0 =	simm.s32 @!p1 $0x0  }
0x14: {  	s2 =	sld [smem:$0x3F96];
	s0 =	simm.s32 @p1 $0x1  }
0x15: {  	[smem:$0x3FB3] =	sst s0;
	s0 =	simm.s32 @!p2 $0x0  }
0x16: {  	s3 =	sld [smem:$0x3FDB];
	s0 =	simm.s32 @p2 $0x1  }
0x17: {  	s4 =	simm.s32 $0x1BF5;
	[smem:$0x3FB5] =	sst s0  }
0x18: {  	s0 =	sld [smem:$0x3F98];
	_ =	swait.ge [sflag:s4], $0x0  }
0x19: {  	s7 =	sld [smem:$0x3F99]  }
0x1a: {  	s8 =	sadd.s32 $0xFFFFE003, lr  }
0x1b: {  	s9 =	sadd.s32 $0xFFFFFEF7, lr;
	s5 =	simm.s32 $0xFFFFFFFF;
	p2 =	slt.u32 s8, $0xFFFFF086  }
0x1c: {  	p1 =	slt.u32 s9, $0xF7A;
	s5 =	simm.s32 @!p2 $0x0  }
0x1d: {  	s5 =	simm.s32 @p1 $0x1;
	p0 =	seq.s32 s7, s2  }
0x1e: {  	s7 =	smul.u32 @!p0 $0xF7A, s2;
	p2 =	seq.s32 @!p0 s5, $0x0  }
0x1f: {  	s9 =	smul.u32 $0xF7A, s1;
	s8 =	simm.s32 @!p0 $0x1BF5;
	p2 =	por !p2, p0  }
0x20: {  	[sflag:s8] =	ssyncset.s32 @!p0 $0xFFFFF086;
	s6 =	sadd.s32 @!p0 s3, s7;
	s7 =	simm.s32 @!p0 $0x108  }
0x21: {  	s3 =	sadd.s32 s3, s9;
	s6 =	sadd.s32 @!p0 $0x88, s6;
	s7 =	simm.s32 @p2 $0x1082  }
0x22: {  	[simem:s7], [sflag:s8] =	dma.local @!p0 [hbm:s6], $0xF7A  }
0x23: {  	s9 =	sor.u32 $0xD0000000, s2;
	s6 =	simm.s32 $0x108;
	_ =	swait.ge @!p0 [sflag:s8], $0x0  }
0x24: {  	s3 =	sadd.s32 $0x88, s3;
	s6 =	simm.s32 @!p1 $0x1082;
	[sflag:s4] =	ssyncset.s32 $0xFFFFF086  }
0x25: {  	[simem:s6], [sflag:s4] =	dma.local [hbm:s3], $0xF7A  }
0x26: {  	[smem:$0x3F99] =	sst s1;
	(tag) =	ssettag s2;
	_ =	strace s9  }
0x27: {  	s1 =	sld [smem:$0x3FA9]  }
0x28: {  	s2 =	sld [smem:$0x3FAA]  }
0x29: {  	s4 =	sld [smem:$0x3FAC]  }
0x2a: {  	p0 =	seq.s32 s5, $0x0;
	s5 =	sld [smem:$0x3FAD]  }
0x2b: {  	s6 =	sld [smem:$0x3FAE]  }
0x2c: {  	s7 =	sld [smem:$0x3FAF]  }
0x2d: {  	s3 =	simm.s32 $0x108;
	s8 =	sld [smem:$0x3FB0]  }
0x2e: {  	s3 =	simm.s32 @!p0 $0x1082;
	s9 =	sld [smem:$0x3FB1]  }
0x2f: {  	lr =	sadd.s32 s0, s3;
	s0 =	sld [smem:$0x3FA8]  }
0x30: {  	s3 =	sld [smem:$0x3FAB]  }
0x31: {  	[smem:$0x3FB4] =	sst s10  }
0x32: {  	s10 =	sld [smem:$0x3FB2];
	_ =	sdelay $0x3  }
0x33: {  	p0 =	seq.s32 s10, $0x1;
	s10 =	sld [smem:$0x3FB4];
	_ =	sdelay $0x3  }
0x34: {  	[smem:$0x3FB4] =	sst s10  }
0x35: {  	s10 =	sld [smem:$0x3FB3];
	_ =	sdelay $0x3  }
0x36: {  	p1 =	seq.s32 s10, $0x1;
	s10 =	sld [smem:$0x3FB4];
	_ =	sdelay $0x3  }
0x37: {  	[smem:$0x3FB4] =	sst s10  }
0x38: {  	s10 =	sld [smem:$0x3FB5]  }
0x39: {  	_ = 	snop;
	(pc) =	sbr.ind lr, $3  }
0x3a: {  	_ = 	snop  }
0x3b: {  	_ = 	snop  }
0x3c: {  	p2 =	seq.s32 s10, $0x1;
	s10 =	sld [smem:$0x3FB4]  }
0x3d: {  	_ =	shalt  }
0x3e: {  	_ =	shalt  }
0x3f: {  	_ =	shalt  }
0x40: {  	_ =	shalt  }
0x41: {  	_ =	shalt  }
0x42: {  	_ =	shalt  }
0x43: {  	_ =	shalt  }
0x44: {  	_ =	shalt  }
0x45: {  	_ =	shalt  }
0x46: {  	_ =	shalt  }
0x47: {  	_ =	shalt  }
0x48: {  	_ =	shalt  }
0x49: {  	_ =	shalt  }
0x4a: {  	_ =	shalt  }
0x4b: {  	_ =	shalt  }
0x4c: {  	_ =	shalt  }
0x4d: {  	_ =	shalt  }
0x4e: {  	_ =	shalt  }
0x4f: {  	_ =	shalt  }
0x50: {  	_ =	shalt  }
0x51: {  	_ =	shalt  }
0x52: {  	_ =	shalt  }
0x53: {  	_ =	shalt  }
0x54: {  	_ =	shalt  }
0x55: {  	_ =	shalt  }
0x56: {  	_ =	shalt  }
0x57: {  	_ =	shalt  }
0x58: {  	_ =	shalt  }
0x59: {  	_ =	shalt  }
0x5a: {  	_ =	shalt  }
0x5b: {  	_ =	shalt  }
0x5c: {  	_ =	shalt  }
0x5d: {  	_ =	shalt  }
0x5e: {  	_ =	shalt  }
0x5f: {  	_ =	shalt  }
0x60: {  	_ =	shalt  }
0x61: {  	_ =	shalt  }
0x62: {  	_ =	shalt  }
0x63: {  	_ =	shalt  }
0x64: {  	_ =	shalt  }
0x65: {  	_ =	shalt  }
0x66: {  	_ =	shalt  }
0x67: {  	_ =	shalt  }
0x68: {  	_ =	shalt  }
0x69: {  	_ =	shalt  }
0x6a: {  	_ =	shalt  }
0x6b: {  	_ =	shalt  }
0x6c: {  	_ =	shalt  }
0x6d: {  	_ =	shalt  }
0x6e: {  	_ =	shalt  }
0x6f: {  	_ =	shalt  }
0x70: {  	_ =	shalt  }
0x71: {  	_ =	shalt  }
0x72: {  	_ =	shalt  }
0x73: {  	_ =	shalt  }
0x74: {  	_ =	shalt  }
0x75: {  	_ =	shalt  }
0x76: {  	_ =	shalt  }
0x77: {  	_ =	shalt  }
0x78: {  	_ =	shalt  }
0x79: {  	_ =	shalt  }
0x7a: {  	_ =	shalt  }
0x7b: {  	_ =	shalt  }
0x7c: {  	_ =	shalt  }
0x7d: {  	_ =	shalt  }
0x7e: {  	_ =	shalt  }
0x7f: {  	_ =	shalt  }
0x80: {  	_ =	shalt  }
0x81: {  	_ =	shalt  }
0x82: {  	_ =	shalt  }
0x83: {  	_ =	shalt  }
0x84: {  	_ =	shalt  }
0x85: {  	_ =	shalt  }
0x86: {  	_ =	shalt  }
0x87: {  	_ =	shalt  }
.Lfunc_end0:
.L_simem_size_0:
called_computation.1_lowered:
.L_overlay_start_0:
0x88: {  	s2 =	sld [smem:$0x3FD9]  }
0x89: {  	s3 =	sld [smem:$0x3FFE];
	_ =	sdelay $0x1  }
0x8a: {  	s1 =	srdreg.scid  }
0x8b: {  	s0 =	sand.u32 $0x1, s1  }
0x8c: {  	s17 =	sshll.u32 s0, $0xA;
	s2 =	sadd.s32 s3, s2  }
0x8d: {  	s2 =	sadd.s32 s2, s17  }
0x8e: {  	[smem:$0x3FC0] =	sst s2  }
0x8f: {  	_ = 	snop  }
0x90: {  	s2 =	sld [smem:$0x3FD0];
	(tm) =	ssettm $0x1  }
0x91: {  	s18 =	sld [smem:$0x3FFB];
	_ =	sdelay $0x3  }
0x92: {  	_ =	strace s18  }
0x93: {  	s3 =	sld [smem:$0x3FFC];
	_ =	sdelay $0x3  }
0x94: {  	_ =	strace s3  }
0x95: {  	s3 =	sld [smem:$0x3FFD];
	_ =	sdelay $0x3  }
0x96: {  	_ =	strace s3  }
0x97: {  	_ =	strace $0x8FFFFFFF  }
0x98: {  	s19 =	sld [smem:$0x3FDB];
	_ =	sdelay $0x1  }
0x99: {  	s4 =	simm.s32 $_scs_section_size  }
0x9a: {  	s5 =	simm.s32 $_size__tile_overlayer_lowered;
	s6 =	simm.s32 $_tile_overlayer_lowered  }
0x9b: {  	s22 =	simm.s32 $0x1BFF;
	s21 =	sshll.u32 s6, $0x1;
	s3 =	sadd.s32 s4, s19  }
0x9c: {  	s7 =	simm.s32 $0x0;
	s20 =	sshll.u32 s5, $0x1;
	s5 =	sadd.s32 s21, s3  }
0x9d: {  	[timem:s7], [sflag:s22] =	dma.local [hbm:s5], s20  }
0x9e: {  	_ =	swait.ge [sflag:s22], s20  }
0x9f: {  	s4 =	ssub.s32 $0x0, s20;
	[sflag:s22] =	ssyncset.done $0x0  }
0xa0: {  	[sflag:s22] =	ssyncadd.s32 s4;
	_ =	sdelay $0x1  }
0xa1: {  	s23 =	simm.s32 $0x1B8B  }
0xa2: {  	_ =	swait.ge [sflag:s23], $0x1  }
0xa3: {  	[sflag:s23] =	ssyncset.done $0x0  }
0xa4: {  	s25 =	simm.s32 $0x1B8E;
	s24 =	sld [smem:$0x3FFE];
	[sflag:s23] =	ssyncadd.s32 $0xFFFFFFFF  }
0xa5: {  	s26 =	simm.s32 $execute0_lowered;
	[smem:$0x3FD2] =	sst s25  }
0xa6: {  	s5 =	sshll.u32 s26, $0x1;
	_ =	strace $0x80000049;
	[dreg:$0x1] =	wrdreg $0xFFFFFFFF  }
0xa7: {  	s28 =	simm.s32 $_size_execute0_lowered;
	s3 =	sadd.s32 s3, s5;
	[dreg:$0x0] =	wrdreg $0x0  }
0xa8: {  	s5 =	sshll.u32 s28, $0x1;
	[dreg:$0x2] =	wrdreg s3  }
0xa9: {  	[dreg:$0x3] =	wrdreg s5  }
0xaa: {  	[dreg:$0x4] =	wrdreg $0xC0  }
0xab: {  	_ =	task [dreg:s7], $0x5FFFF  }
0xac: {  	[dreg:$0x1] =	wrdreg $0xFFFFFFFF  }
0xad: {  	[dreg:$0x0] =	wrdreg $0x60  }
0xae: {  	[dreg:$0x2] =	wrdreg s24  }
0xaf: {  	[dreg:$0x3] =	wrdreg s2  }
0xb0: {  	[dreg:$0x4] =	wrdreg $0xB2200  }
0xb1: {  	[dreg:$0x5] =	wrdreg $0x9  }
0xb2: {  	_ =	task.clear_ibuf [dreg:s7], $0x6FFFF;
	_ =	strace $0x90000049  }
0xb3: {  	s29 =	simm.s32 $0x9;
	_ =	strace $0x8000004B  }
0xb4: {  	_ =	swait.ge [sflag:s29], $0x1  }
0xb5: {  	[sflag:s29] =	ssyncadd.s32 $0xFFFFFFFF  }
0xb6: {  	_ =	strace $0x9000004B  }
0xb7: {  	_ =	sfence  }
0xb8: {  	s30 =	sld [smem:$0x0];
	_ =	sdelay $0x2  }
0xb9: {  	s31 =	sshll.u32 s1, $0xD;
	s1 =	sshrl.u32 s1, $0x2  }
0xba: {  	s3 =	sand.u32 $0x4000, s31;
	s1 =	sadd.s32 s1, s30  }
0xbb: {  	s0 =	sor.u32 s3, s0;
	s1 =	sshll.u32 s1, $0x11  }
0xbc: {  	s0 =	sor.u32 s1, s0  }
0xbd: {  	s0 =	sadd.s32 $0x8F2B, s0  }
0xbe: {  	[sflag:s0] =	ssyncadd.remote.s32 $0x1  }
0xbf: {  	_ =	sfence.sel $0xFFFF  }
0xc0: {  	[dreg:$0x0] =	wrdreg $0xFFFFFFFF;
	(pc) =	sbr.abs _section_cstart, $3  }
0xc1: {  	[dreg:$0x1] =	wrdreg $0xFFFFFFFF  }
0xc2: {  	_ =	task.clear_ibuf [dreg:s7], $0x2FFFF;
	_ =	strace $0x9FFFFFFF  }
0xc3: {  	(tm) =	ssettm $0x7FFFFFFF  }
tec
execute0_lowered:
.L_overlay_start_1:
0x0: {  	(tag) =	ssettag $0x1  }
0x1: {  	s0 =	rddreg [dreg:$0x0]  }
0x2: {  	s1 =	rddreg [dreg:$0x1]  }
0x3: {  	s2 =	rddreg [dreg:$0x2]  }
0x4: {  	s12 =	stileid.u32;
	s4 =	srdreg.scid;
	s3 =	simm.s32 $0x0  }
0x5: {  	s14 =	simm.s32 $0x50;
	s15 =	simm.s32 $0x4E20;
	s16 =	simm.s32 $0x6220  }
0x6: {  	s18 =	simm.s32 $0x7620;
	s20 =	simm.s32 $0x8A20;
	s22 =	simm.s32 $0x9E20  }
0x7: {  	s23 =	simm.s32 $0x1;
	s28 =	simm.s32 $0x5;
	s29 =	simm.s32 $0x4C90  }
0x8: {  	s30 =	simm.s32 $0x4CE0;
	s31 =	simm.s32 $0x4D30;
	s13 =	simm.s32 $0x0  }
0x9: {  	s5 =	smul.u32 $0x9C00, s12;
	s6 =	sand.u32 $0x1, s4;
	[smem:$0x7FF] =	sst s3  }
0xa: {  	s4 =	sadd.s32 $0x4C00, s0;
	s26 =	sshll.u32 s12, $0x6;
	s7 =	smul.u32 $0x9C400, s6  }
0xb: {  	_ =	strace $0x8000004A;
	s8 =	sshll.u32 s6, $0x4;
	s6 =	ssub.s32 $0x2, s6  }
0xc: {  	s9 =	sshrl.u32 s5, $0x3;
	s8 =	sor.u32 s12, s8;
	s24 =	sshrl.u32 s6, $0x1  }
0xd: {  	s11 =	sadd.s32 s5, s2;
	s12 =	simm.s32 $0x6;
	s7 =	sadd.s32 s5, s7  }
0xe: {  	s8 =	smul.u32 $0x2710, s8;
	s9 =	sadd.s32 s9, s0;
	s10 =	ssub.s32 s6, s24  }
0xf: {  	s11 =	sshrl.u32 s11, $0x3;
	s24 =	simm.s32 $0x2;
	s7 =	sshrl.u32 s7, $0x3  }
0x10: {  	s5 =	sadd.s32 $0x18600, s9;
	s10 =	smax.u32 s10, $0x1;
	s0 =	sadd.s32 s7, s0  }
0x11: {  	s25 =	sshrl.u32 s8, $0x3;
	s7 =	sor.u32 $0x1C06, s26;
	s26 =	simm.s32 $0x4  }
0x12: {  	s6 =	sadd.s32 s1, s25;
	s9 =	sadd.s32 $0x2C000, s0;
	s25 =	simm.s32 $0x3  }
0x13: {  	s0 =	simm.s32 $0x4D80;
	s1 =	simm.s32 $0x4DD0;
	s8 =	sadd.s32 $0x9C40, s6  }
.LBB2_1:
0x14: {  	[spmem:s11], [sflag:s7] =	dma.local [hbm:s5], $0x1400  }
0x15: {  	_ =	swait.ge [sflag:s12], $0x1400  }
0x16: {  	[sflag:s12] =	ssyncset.done $0x0  }
0x17: {  	[sflag:s12] =	ssyncadd.s32 $0xFFFFEC00  }
0x18: {  	[tilespmem:s3], [sflag:$0x6] =	stream.linear.gather [hbm4b:s6+s3], $0x2710, $0x38;
	[tilespmem:$0x14E60] =	vst v63  }
0x19: {  	_ =	swait.ge [sflag:s12], $0x2710  }
0x1a: {  	[sflag:s12] =	ssyncset.done $0x0  }
0x1b: {  	s17 =	simm.s32 $0x2710;
	[sflag:s12] =	ssyncadd.s32 $0xFFFFD8F0  }
0x1c: {  	[tilespmem:s17], [sflag:$0x6] =	stream.linear.gather [hbm4b:s8+s3], $0x2710, $0x38;
	[tilespmem:$0x14E60] =	vst v63  }
0x1d: {  	_ =	swait.ge [sflag:s12], $0x2710  }
0x1e: {  	[sflag:s12] =	ssyncset.done $0x0  }
0x1f: {  	[sflag:s12] =	ssyncadd.s32 $0xFFFFD8F0  }
0x20: {  	[bflag:$0x0] =	sbarrier.arrive $0xFFFF  }
0x21: {  	[tilespmem:s15], [sflag:$0x1] =	stream.indirect.gather [hbm4b:s4+s14], $0x40, s3, s14, $0xb8;
	[tilespmem:$0x14E60] =	vst v63  }
0x22: {  	_ = 	snop  }
0x23: {  	[tilespmem:s16], [sflag:$0x2] =	stream.indirect.gather [hbm4b:s4+s14], $0x40, s14, s14, $0xb8;
	[tilespmem:$0x14E60] =	vst v63  }
0x24: {  	s19 =	simm.s32 $0xA0  }
0x25: {  	[tilespmem:s18], [sflag:$0x3] =	stream.indirect.gather [hbm4b:s4+s14], $0x40, s19, s14, $0xb8;
	[tilespmem:$0x14E60] =	vst v63  }
0x26: {  	s21 =	simm.s32 $0xF0  }
0x27: {  	[tilespmem:s20], [sflag:$0x4] =	stream.indirect.gather [hbm4b:s4+s14], $0x40, s21, s14, $0xb8;
	[tilespmem:$0x14E60] =	vst v63  }
0x28: {  	s19 =	simm.s32 $0x140  }
0x29: {  	[tilespmem:s22], [sflag:$0x5] =	stream.indirect.gather [hbm4b:s4+s14], $0x40, s19, s14, $0xb8;
	[tilespmem:$0x14E60] =	vst v63  }
0x2a: {  	_ =	swait.ge [sflag:s23], $0x1400  }
0x2b: {  	[sflag:s23] =	ssyncset.done $0x0  }
0x2c: {  	s21 =	simm.s32 $0x2710;
	[sflag:s23] =	ssyncadd.s32 $0xFFFFEC00  }
0x2d: {  	[spmem:s2] =	stream.indirect.scatter.add.f32 [tilespmem:s15], [sflag:$0x6], $0x40, s21, s14, $0xb8;
	[tilespmem:$0x14E60] =	vst v63  }
0x2e: {  	_ =	swait.ge [sflag:s12], $0x1400  }
0x2f: {  	[sflag:s12] =	ssyncset.done $0x0  }
0x30: {  	s19 =	simm.s32 $0x190;
	[sflag:s12] =	ssyncadd.s32 $0xFFFFEC00  }
0x31: {  	[tilespmem:s15], [sflag:$0x1] =	stream.indirect.gather [hbm4b:s4+s14], $0x40, s19, s14, $0xb8;
	[tilespmem:$0x14E60] =	vst v63  }
0x32: {  	_ =	swait.ge [sflag:s24], $0x1400  }
0x33: {  	[sflag:s24] =	ssyncset.done $0x0  }
0x34: {  	s21 =	simm.s32 $0x2760;
	[sflag:s24] =	ssyncadd.s32 $0xFFFFEC00  }
0x35: {  	[spmem:s2] =	stream.indirect.scatter.add.f32 [tilespmem:s16], [sflag:$0x6], $0x40, s21, s14, $0xb8;
	[tilespmem:$0x14E60] =	vst v63  }
0x36: {  	_ =	swait.ge [sflag:s12], $0x1400  }
0x37: {  	[sflag:s12] =	ssyncset.done $0x0  }
0x38: {  	s19 =	simm.s32 $0x1E0;
	[sflag:s12] =	ssyncadd.s32 $0xFFFFEC00  }
0x39: {  	[tilespmem:s16], [sflag:$0x2] =	stream.indirect.gather [hbm4b:s4+s14], $0x40, s19, s14, $0xb8;
	[tilespmem:$0x14E60] =	vst v63  }
0x3a: {  	_ =	swait.ge [sflag:s25], $0x1400  }
0x3b: {  	[sflag:s25] =	ssyncset.done $0x0  }
0x3c: {  	s21 =	simm.s32 $0x27B0;
	[sflag:s25] =	ssyncadd.s32 $0xFFFFEC00  }
0x3d: {  	[spmem:s2] =	stream.indirect.scatter.add.f32 [tilespmem:s18], [sflag:$0x6], $0x40, s21, s14, $0xb8;
	[tilespmem:$0x14E60] =	vst v63  }
0x3e: {  	_ =	swait.ge [sflag:s12], $0x1400  }
0x3f: {  	[sflag:s12] =	ssyncset.done $0x0  }
0x40: {  	s19 =	simm.s32 $0x230;
	[sflag:s12] =	ssyncadd.s32 $0xFFFFEC00  }
0x41: {  	[tilespmem:s18], [sflag:$0x3] =	stream.indirect.gather [hbm4b:s4+s14], $0x40, s19, s14, $0xb8;
	[tilespmem:$0x14E60] =	vst v63  }
0x42: {  	_ =	swait.ge [sflag:s26], $0x1400  }
0x43: {  	[sflag:s26] =	ssyncset.done $0x0  }
0x44: {  	s21 =	simm.s32 $0x2800;
	[sflag:s26] =	ssyncadd.s32 $0xFFFFEC00  }
0x45: {  	[spmem:s2] =	stream.indirect.scatter.add.f32 [tilespmem:s20], [sflag:$0x6], $0x40, s21, s14, $0xb8;
	[tilespmem:$0x14E60] =	vst v63  }
0x46: {  	_ =	swait.ge [sflag:s12], $0x1400  }
0x47: {  	[sflag:s12] =	ssyncset.done $0x0  }
0x48: {  	s19 =	simm.s32 $0x280;
	[sflag:s12] =	ssyncadd.s32 $0xFFFFEC00  }
0x49: {  	[tilespmem:s20], [sflag:$0x4] =	stream.indirect.gather [hbm4b:s4+s14], $0x40, s19, s14, $0xb8;
	[tilespmem:$0x14E60] =	vst v63  }
0x4a: {  	_ =	swait.ge [sflag:s28], $0x1400  }
0x4b: {  	[sflag:s28] =	ssyncset.done $0x0  }
0x4c: {  	s21 =	simm.s32 $0x2850;
	[sflag:s28] =	ssyncadd.s32 $0xFFFFEC00  }
0x4d: {  	[spmem:s2] =	stream.indirect.scatter.add.f32 [tilespmem:s22], [sflag:$0x6], $0x40, s21, s14, $0xb8;
	[tilespmem:$0x14E60] =	vst v63  }
0x4e: {  	_ =	swait.ge [sflag:s12], $0x1400  }
0x4f: {  	[sflag:s12] =	ssyncset.done $0x0  }
0x50: {  	s17 =	simm.s32 $0x640;
	s19 =	simm.s32 $0x2D0;
	[sflag:s12] =	ssyncadd.s32 $0xFFFFEC00  }
.LBB2_2:
0x51: {  	[tilespmem:s22], [sflag:$0x5] =	stream.indirect.gather [hbm4b:s4+s14], $0x40, s19, s14, $0xb8;
	[tilespmem:$0x14E60] =	vst v63  }
0x52: {  	s19 =	smov.u32 s17  }
0x53: {  	p0 =	sne.s32 s17, $0x8FC0;
	s17 =	sadd.s32 $0x640, s17;
	_ =	swait.ge [sflag:s23], $0x1400  }
0x54: {  	s19 =	sshra.s32 s19, $0x2;
	[sflag:s23] =	ssyncset.done $0x0  }
0x55: {  	s21 =	sadd.s32 $0x2710, s19;
	[sflag:s23] =	ssyncadd.s32 $0xFFFFEC00  }
0x56: {  	[spmem:s2] =	stream.indirect.scatter.add.f32 [tilespmem:s15], [sflag:$0x6], $0x40, s21, s14, $0xb8;
	[tilespmem:$0x14E60] =	vst v63  }
0x57: {  	_ =	swait.ge [sflag:s12], $0x1400  }
0x58: {  	[sflag:s12] =	ssyncset.done $0x0  }
0x59: {  	s21 =	sadd.s32 $0x190, s19;
	[sflag:s12] =	ssyncadd.s32 $0xFFFFEC00  }
0x5a: {  	[tilespmem:s15], [sflag:$0x1] =	stream.indirect.gather [hbm4b:s4+s14], $0x40, s21, s14, $0xb8;
	[tilespmem:$0x14E60] =	vst v63  }
0x5b: {  	_ =	swait.ge [sflag:s24], $0x1400  }
0x5c: {  	[sflag:s24] =	ssyncset.done $0x0  }
0x5d: {  	s21 =	sadd.s32 $0x2760, s19;
	[sflag:s24] =	ssyncadd.s32 $0xFFFFEC00  }
0x5e: {  	[spmem:s2] =	stream.indirect.scatter.add.f32 [tilespmem:s16], [sflag:$0x6], $0x40, s21, s14, $0xb8;
	[tilespmem:$0x14E60] =	vst v63  }
0x5f: {  	_ =	swait.ge [sflag:s12], $0x1400  }
0x60: {  	[sflag:s12] =	ssyncset.done $0x0  }
0x61: {  	s21 =	sadd.s32 $0x1E0, s19;
	[sflag:s12] =	ssyncadd.s32 $0xFFFFEC00  }
0x62: {  	[tilespmem:s16], [sflag:$0x2] =	stream.indirect.gather [hbm4b:s4+s14], $0x40, s21, s14, $0xb8;
	[tilespmem:$0x14E60] =	vst v63  }
0x63: {  	_ =	swait.ge [sflag:s25], $0x1400  }
0x64: {  	[sflag:s25] =	ssyncset.done $0x0  }
0x65: {  	s21 =	sadd.s32 $0x27B0, s19;
	[sflag:s25] =	ssyncadd.s32 $0xFFFFEC00  }
0x66: {  	[spmem:s2] =	stream.indirect.scatter.add.f32 [tilespmem:s18], [sflag:$0x6], $0x40, s21, s14, $0xb8;
	[tilespmem:$0x14E60] =	vst v63  }
0x67: {  	_ =	swait.ge [sflag:s12], $0x1400  }
0x68: {  	[sflag:s12] =	ssyncset.done $0x0  }
0x69: {  	s21 =	sadd.s32 $0x230, s19;
	[sflag:s12] =	ssyncadd.s32 $0xFFFFEC00  }
0x6a: {  	[tilespmem:s18], [sflag:$0x3] =	stream.indirect.gather [hbm4b:s4+s14], $0x40, s21, s14, $0xb8;
	[tilespmem:$0x14E60] =	vst v63  }
0x6b: {  	_ =	swait.ge [sflag:s26], $0x1400  }
0x6c: {  	[sflag:s26] =	ssyncset.done $0x0  }
0x6d: {  	s21 =	sadd.s32 $0x2800, s19;
	[sflag:s26] =	ssyncadd.s32 $0xFFFFEC00  }
0x6e: {  	[spmem:s2] =	stream.indirect.scatter.add.f32 [tilespmem:s20], [sflag:$0x6], $0x40, s21, s14, $0xb8;
	[tilespmem:$0x14E60] =	vst v63  }
0x6f: {  	_ =	swait.ge [sflag:s12], $0x1400  }
0x70: {  	[sflag:s12] =	ssyncset.done $0x0  }
0x71: {  	s21 =	sadd.s32 $0x280, s19;
	[sflag:s12] =	ssyncadd.s32 $0xFFFFEC00  }
0x72: {  	[tilespmem:s20], [sflag:$0x4] =	stream.indirect.gather [hbm4b:s4+s14], $0x40, s21, s14, $0xb8;
	[tilespmem:$0x14E60] =	vst v63  }
0x73: {  	_ =	swait.ge [sflag:s28], $0x1400  }
0x74: {  	[sflag:s28] =	ssyncset.done $0x0  }
.Ltmp0:
0x75: {  	s21 =	sadd.s32 $0x2850, s19;
	[sflag:s28] =	ssyncadd.s32 $0xFFFFEC00;
	(pc) =	sbr.rel @p0 .LBB2_2-.Ltmp0, $4  }
0x76: {  	[spmem:s2] =	stream.indirect.scatter.add.f32 [tilespmem:s22], [sflag:$0x6], $0x40, s21, s14, $0xb8;
	[tilespmem:$0x14E60] =	vst v63  }
0x77: {  	_ =	swait.ge [sflag:s12], $0x1400  }
0x78: {  	[sflag:s12] =	ssyncset.done $0x0  }
0x79: {  	s19 =	sadd.s32 $0x2D0, s19;
	[sflag:s12] =	ssyncadd.s32 $0xFFFFEC00  }
0x7a: {  	[tilespmem:s22], [sflag:$0x5] =	stream.indirect.gather [hbm4b:s4+s14], $0x40, s19, s14, $0xb8;
	[tilespmem:$0x14E60] =	vst v63  }
0x7b: {  	_ =	swait.ge [sflag:s23], $0x1400  }
0x7c: {  	[sflag:s23] =	ssyncset.done $0x0  }
0x7d: {  	[sflag:s23] =	ssyncadd.s32 $0xFFFFEC00  }
0x7e: {  	[spmem:s2] =	stream.indirect.scatter.add.f32 [tilespmem:s15], [sflag:$0x6], $0x40, s29, s14, $0xb8;
	[tilespmem:$0x14E60] =	vst v63  }
0x7f: {  	_ =	swait.ge [sflag:s12], $0x1400  }
0x80: {  	[sflag:s12] =	ssyncset.done $0x0  }
0x81: {  	[sflag:s12] =	ssyncadd.s32 $0xFFFFEC00  }
0x82: {  	_ =	swait.ge [sflag:s24], $0x1400  }
0x83: {  	[sflag:s24] =	ssyncset.done $0x0  }
0x84: {  	[sflag:s24] =	ssyncadd.s32 $0xFFFFEC00  }
0x85: {  	[spmem:s2] =	stream.indirect.scatter.add.f32 [tilespmem:s16], [sflag:$0x6], $0x40, s30, s14, $0xb8;
	[tilespmem:$0x14E60] =	vst v63  }
0x86: {  	_ =	swait.ge [sflag:s12], $0x1400  }
0x87: {  	[sflag:s12] =	ssyncset.done $0x0  }
0x88: {  	[sflag:s12] =	ssyncadd.s32 $0xFFFFEC00  }
0x89: {  	_ =	swait.ge [sflag:s25], $0x1400  }
0x8a: {  	[sflag:s25] =	ssyncset.done $0x0  }
0x8b: {  	[sflag:s25] =	ssyncadd.s32 $0xFFFFEC00  }
0x8c: {  	[spmem:s2] =	stream.indirect.scatter.add.f32 [tilespmem:s18], [sflag:$0x6], $0x40, s31, s14, $0xb8;
	[tilespmem:$0x14E60] =	vst v63  }
0x8d: {  	_ =	swait.ge [sflag:s12], $0x1400  }
0x8e: {  	[sflag:s12] =	ssyncset.done $0x0  }
0x8f: {  	[sflag:s12] =	ssyncadd.s32 $0xFFFFEC00  }
0x90: {  	_ =	swait.ge [sflag:s26], $0x1400  }
0x91: {  	[sflag:s26] =	ssyncset.done $0x0  }
0x92: {  	[sflag:s26] =	ssyncadd.s32 $0xFFFFEC00  }
0x93: {  	[spmem:s2] =	stream.indirect.scatter.add.f32 [tilespmem:s20], [sflag:$0x6], $0x40, s0, s14, $0xb8;
	[tilespmem:$0x14E60] =	vst v63  }
0x94: {  	_ =	swait.ge [sflag:s12], $0x1400  }
0x95: {  	[sflag:s12] =	ssyncset.done $0x0  }
0x96: {  	[sflag:s12] =	ssyncadd.s32 $0xFFFFEC00  }
0x97: {  	_ =	swait.ge [sflag:s28], $0x1400  }
0x98: {  	[sflag:s28] =	ssyncset.done $0x0  }
0x99: {  	[sflag:s28] =	ssyncadd.s32 $0xFFFFEC00  }
0x9a: {  	[spmem:s2] =	stream.indirect.scatter.add.f32 [tilespmem:s22], [sflag:$0x6], $0x40, s1, s14, $0xb8;
	[tilespmem:$0x14E60] =	vst v63  }
0x9b: {  	_ =	swait.ge [sflag:s12], $0x1400  }
0x9c: {  	s13 =	sadd.s32 $0x1, s13;
	[sflag:s12] =	ssyncset.done $0x0  }
0x9d: {  	p0 =	sne.s32 s13, s10;
	[sflag:s12] =	ssyncadd.s32 $0xFFFFEC00  }
.Ltmp1:
0x9e: {  	[bflag:$0x0] =	sbarrier.arrive $0xFFFF;
	(pc) =	sbr.rel @p0 .LBB2_1-.Ltmp1, $4  }
0x9f: {  	[hbm:s9], [sflag:s7] =	dma.local [spmem:s11], $0x1400  }
0xa0: {  	_ =	swait.ge [sflag:s12], $0x1400  }
0xa1: {  	[sflag:s12] =	ssyncset.done $0x0  }
0xa2: {  	[sflag:s12] =	ssyncadd.s32 $0xFFFFEC00  }
0xa3: {  	_ =	sfence.sel $0x180000  }
0xa4: {  	[bflag:$0x0] =	sbarrier.arrive $0xFFFF  }
0xa5: {  	_ =	strace $0x9000004A  }
0xa6: {  	s0 =	stileid.u32;
	[bflag:$0x2] =	sbarrier.arrive $0xFFFF  }
0xa7: {  	p0 =	sne.s32 s0, $0x0;
	s0 =	rddreg [dreg:$0x3]  }
0xa8: {  	s0 =	sadd.s32 @!p0 $0x100000, s0  }
0xa9: {  	[sflag:s0] =	ssyncadd.tile.s32 @!p0 $0x1;
	_ =	shalt  }
.Lfunc_end2:
_tile_overlayer_lowered:
.L_overlay_start_2:
0xaa: {  	(tag) =	ssettag $0x2  }
0xab: {  	s0 =	rddreg [dreg:$0x0];
	s2 =	stileid.u32  }
0xac: {  	s1 =	rddreg [dreg:$0x1];
	p0 =	sne.s32 s2, $0x0  }
0xad: {  	s3 =	rddreg [dreg:$0x2];
	[bflag:$0x3] =	sbarrier.arrive $0xFFFF;
	s2 =	simm.s32 @!p0 $0x1C06  }
0xae: {  	[timem:s3], [sflag:s2] =	dma.local @!p0 [hbm:s0], s1  }
0xaf: {  	s0 =	simm.s32 @!p0 $0x6  }
0xb0: {  	_ =	swait.ge @!p0 [sflag:s0], s1  }
0xb1: {  	s1 =	ssub.s32 @!p0 $0x0, s1;
	[sflag:s0] =	ssyncset.done @!p0 $0x0  }
0xb2: {  	[sflag:s0] =	ssyncadd.s32 @!p0 s1  }
0xb3: {  	[bflag:$0x3] =	sbarrier.arrive $0xFFFF  }
0xb4: {  	_ =	shalt  }

</sc_bundles>
